<compile_context>
chip_gen: v7x
topology: tpu7x:2x2x1
jax: 0.10.2.dev20260603
libtpu: 0.0.44.dev20260713+nightly
codegen_flags: <defaults>
</compile_context>

<pallas_src>
import functools

import jax
import jax.numpy as jnp
from jax import lax
from jax.experimental import pallas as pl
from jax.experimental.pallas import tpu as pltpu
from jax.experimental.pallas import tpu_sc as plsc

_N_EMB = 1024
_DIM = 64
_TILE = 4096
_N_ROWS = 32 * 1024
_NW = 32
_ROWS_PER_W = _N_ROWS // _NW
_CHUNK = 128
_NCH = _ROWS_PER_W // _CHUNK


def _argmin_body(x_ref, emb_ref, idx_ref, loss_ref, embp_ref):
    x = x_ref[...]
    emb = emb_ref[...]
    x2 = jnp.sum(x * x, axis=1, keepdims=True)
    e2 = jnp.sum(emb * emb, axis=1)
    dots2 = lax.dot_general(x, emb + emb, (((1,), (1,)), ((), ())))
    dist = (x2 + e2[None, :]) - dots2
    mins = jnp.min(dist, axis=1, keepdims=True)
    colf = lax.broadcasted_iota(jnp.int32, dist.shape, 1).astype(jnp.float32)
    idxf = jnp.min(jnp.where(dist == mins, colf, 16777216.0), axis=1)
    idx_ref[...] = idxf.astype(jnp.int32).reshape(idx_ref.shape)
    partial = jnp.sum(mins).reshape(1, 1)

    @pl.when(pl.program_id(0) == 0)
    def _init():
        loss_ref[...] = partial
        embp_ref[...] = jnp.concatenate(
            [emb, jnp.zeros((_N_EMB, _DIM), jnp.float32)], axis=1
        )

    @pl.when(pl.program_id(0) != 0)
    def _acc():
        loss_ref[...] += partial


_NBUF = 2


def _make_sc_gather(n_rows):
    nch = n_rows // _NW // _CHUNK

    def _sc_gather_body(emb_hbm, idx_hbm, out_hbm, idx_v, rows_v, outc_v,
                        sem, wsem0, wsem1):
        wid = lax.axis_index("s") * 2 + lax.axis_index("c")
        base = wid * nch
        wsems = [wsem0, wsem1]
        pltpu.sync_copy(idx_hbm.at[pl.ds(base, nch)], idx_v)

        def _fire(j):
            return pltpu.async_copy(
                emb_hbm.at[idx_v.at[j]], rows_v.at[j % _NBUF], sem
            )

        copies = [_fire(j) for j in range(_NBUF)]
        writes = [None] * _NBUF
        for j in range(nch):
            b = j % _NBUF
            copies[b].wait()
            if writes[b] is not None:
                writes[b].wait()

            def _row(r, carry):
                for k in range(_DIM // 16):
                    outc_v[b, r, pl.ds(k * 16, 16)] = rows_v[b, r, pl.ds(k * 16, 16)]
                return carry

            lax.fori_loop(0, _CHUNK, _row, 0)
            if j + _NBUF < nch:
                copies[b] = _fire(j + _NBUF)
            writes[b] = pltpu.async_copy(
                outc_v.at[b],
                out_hbm.at[pl.ds((base + j) * _CHUNK, _CHUNK)],
                wsems[b],
            )
        for w in writes:
            if w is not None:
                w.wait()

    return functools.partial(
        pl.kernel,
        mesh=plsc.VectorSubcoreMesh(core_axis_name="c", subcore_axis_name="s"),
        out_type=jax.ShapeDtypeStruct((n_rows, _DIM), jnp.float32),
        scratch_types=[
            pltpu.VMEM((nch, _CHUNK), jnp.int32),
            pltpu.VMEM((_NBUF, _CHUNK, 2 * _DIM), jnp.float32),
            pltpu.VMEM((_NBUF, _CHUNK, _DIM), jnp.float32),
            pltpu.SemaphoreType.DMA,
            pltpu.SemaphoreType.DMA,
            pltpu.SemaphoreType.DMA,
        ],
        compiler_params=pltpu.CompilerParams(use_tc_tiling_on_sc=True),
    )(_sc_gather_body)


_sc_gather = _make_sc_gather(_N_ROWS)


def _argmin_call(flat_half, embeddings):
    n = flat_half.shape[0]
    grid = n // _TILE
    chunks_per_tile = _TILE // _CHUNK
    return pl.pallas_call(
        _argmin_body,
        grid=(grid,),
        in_specs=[
            pl.BlockSpec((_TILE, _DIM), lambda i: (i, 0)),
            pl.BlockSpec((_N_EMB, _DIM), lambda i: (0, 0)),
        ],
        out_specs=[
            pl.BlockSpec((chunks_per_tile, _CHUNK), lambda i: (i, 0)),
            pl.BlockSpec((1, 1), lambda i: (0, 0)),
            pl.BlockSpec((_N_EMB, 2 * _DIM), lambda i: (0, 0)),
        ],
        out_shape=[
            jax.ShapeDtypeStruct((n // _CHUNK, _CHUNK), jnp.int32),
            jax.ShapeDtypeStruct((1, 1), jnp.float32),
            jax.ShapeDtypeStruct((_N_EMB, 2 * _DIM), jnp.float32),
        ],
    )(flat_half, embeddings)


@jax.jit
def _vq(inputs, embeddings):
    flat = inputs.reshape(-1, _DIM)
    idx, loss_sum, emb_p = _argmin_call(flat, embeddings)
    q = _sc_gather(emb_p, idx)
    vq_loss = loss_sum[0, 0] * (2.0 / (_N_ROWS * _DIM))
    return q.reshape(inputs.shape), vq_loss


def kernel(inputs, embeddings):
    return _vq(inputs, embeddings)

# --- scband reference (transcript-rebuilt; emitter-appended) ---
"""Pipeline reference for scband-vector-quantizer-83296595739422 (READ-ONLY COPY).

The authoritative reference and input builder live on the scoring server;
editing this copy changes nothing except your own understanding.
"""

import jax, jax.numpy as jnp
import numpy as np

NUM_EMBEDDINGS = 1024
EMBEDDING_DIM = 64

def setup_inputs(seed: int = 0) -> dict:
    key = jax.random.key(seed)
    k1, k2 = jax.random.split(key)
    inputs = jax.random.normal(k1, (32, 1024, EMBEDDING_DIM), dtype=jnp.float32)
    embeddings = jax.random.normal(k2, (NUM_EMBEDDINGS, EMBEDDING_DIM), dtype=jnp.float32) * 0.05
    return {"inputs": inputs, "embeddings": embeddings}

def reference(inputs, embeddings):
    flat_inputs = inputs.reshape(-1, EMBEDDING_DIM)
    distances = (jnp.sum(flat_inputs ** 2, axis=1, keepdims=True)
                 + jnp.sum(embeddings ** 2, axis=1)
                 - 2.0 * jnp.matmul(flat_inputs, embeddings.T))
    encoding_indices = jnp.argmin(distances, axis=1)
    encodings = jax.nn.one_hot(encoding_indices, NUM_EMBEDDINGS, dtype=flat_inputs.dtype)
    quantized = jnp.matmul(encodings, embeddings)
    quantized = quantized.reshape(inputs.shape)
    e_latent_loss = jnp.mean((jax.lax.stop_gradient(quantized) - inputs) ** 2)
    q_latent_loss = jnp.mean((quantized - jax.lax.stop_gradient(inputs)) ** 2)
    vq_loss = q_latent_loss + jax.lax.stop_gradient(e_latent_loss)
    quantized_out = inputs + jax.lax.stop_gradient(quantized - inputs)
    return (quantized_out, vq_loss)

if __name__ == "__main__":
    import jax
    _d = setup_inputs()
    print(jax.jit(kernel)(*tuple(_d.values())))

</pallas_src>

<mosaic_0001>
#map = affine_map<(d0, d1) -> (0, 0)>
module attributes {stable_mosaic.version = 14 : i64} {
  func.func @_sc_gather_body(%arg0: i32, %arg1: i32, %arg2: memref<1024x128xf32, #tpu.memory_space<hbm>>, %arg3: memref<256x128xi32, #tpu.memory_space<hbm>>, %arg4: memref<32768x64xf32, #tpu.memory_space<hbm>>, %arg5: memref<8x128xi32, #tpu.memory_space<vmem>>, %arg6: memref<2x128x128xf32, #tpu.memory_space<vmem>>, %arg7: memref<2x128x64xf32, #tpu.memory_space<vmem>>, %arg8: memref<!tpu.dma_semaphore, #tpu.memory_space<semaphore_mem>>, %arg9: memref<!tpu.dma_semaphore, #tpu.memory_space<semaphore_mem>>, %arg10: memref<!tpu.dma_semaphore, #tpu.memory_space<semaphore_mem>>) attributes {dimension_semantics = [#tpu.dimension_semantics<core_parallel>, #tpu.dimension_semantics<subcore_parallel>], iteration_bounds = array<i64: 2, 16>, scalar_prefetch = 0 : i64, scratch_operands = 6 : i64, tpu.core_type = #tpu.core_type<sc_vector_subcore>, window_params = [{transform_indices = #map}, {transform_indices = #map}, {transform_indices = #map}]} {
    %mul3A = arith.constant 2 : i32
    %mul3A_0 = arith.muli %arg1, %mul3A : i32
    %add3A = arith.addi %mul3A_0, %arg0 : i32
    %mul3A_1 = arith.constant 8 : i32
    %mul3A_2 = arith.muli %add3A, %mul3A_1 : i32
    "tpu.region"() ({
      %run_scoped3A = tpu.sem_alloc : memref<!tpu.dma_semaphore, #tpu.memory_space<semaphore_mem>>
      %dma_start3A_480 = arith.constant 0 : i32
      %dma_start3A_481 = tpu.memref_slice %arg3[%mul3A_2, %dma_start3A_480] : memref<256x128xi32, #tpu.memory_space<hbm>> -> memref<8x128xi32, #tpu.memory_space<hbm>>
      %dma_start3A_482 = arith.constant 0 : i32
      %dma_start3A_483 = tpu.memref_slice %arg3[%mul3A_2, %dma_start3A_482] : memref<256x128xi32, #tpu.memory_space<hbm>> -> memref<8x128xi32, #tpu.memory_space<hbm>>
      tpu.enqueue_dma source(%dma_start3A_483 : memref<8x128xi32, #tpu.memory_space<hbm>>) target(%arg5 : memref<8x128xi32, #tpu.memory_space<vmem>>) target_semaphore(%run_scoped3A : memref<!tpu.dma_semaphore, #tpu.memory_space<semaphore_mem>>)
      %dma_wait3A_484 = arith.constant 0 : i32
      %dma_wait3A_485 = tpu.memref_slice %arg3[%mul3A_2, %dma_wait3A_484] : memref<256x128xi32, #tpu.memory_space<hbm>> -> memref<8x128xi32, #tpu.memory_space<hbm>>
      %dma_wait3A_486 = arith.constant 0 : i32
      %dma_wait3A_487 = tpu.memref_slice %arg3[%mul3A_2, %dma_wait3A_486] : memref<256x128xi32, #tpu.memory_space<hbm>> -> memref<8x128xi32, #tpu.memory_space<hbm>>
      tpu.wait_dma2 semaphore(%run_scoped3A : memref<!tpu.dma_semaphore, #tpu.memory_space<semaphore_mem>>) src(%dma_wait3A_487 : memref<8x128xi32, #tpu.memory_space<hbm>>) dst(%arg5 : memref<8x128xi32, #tpu.memory_space<vmem>>)
      tpu.yield
    }) : () -> ()
    %dma_start3A = arith.constant 0 : i32
    %dma_start3A_3 = arith.constant 0 : i32
    %dma_start3A_4 = arith.constant 0 : i32
    %dma_start3A_5 = arith.constant 0 : i32
    %dma_start3A_6 = tpu.memref_slice %arg6[%dma_start3A_3, %dma_start3A_4, %dma_start3A_5] : memref<2x128x128xf32, #tpu.memory_space<vmem>> -> memref<1x128x128xf32, #tpu.memory_space<vmem>>
    %dma_start3A_7 = tpu.memref_squeeze %dma_start3A_6 : memref<1x128x128xf32, #tpu.memory_space<vmem>> -> memref<128x128xf32, #tpu.memory_space<vmem>>
    %dma_start3A_8 = arith.constant 0 : i32
    %dma_start3A_9 = tpu.memref_slice %arg5[%dma_start3A, %dma_start3A_8] : memref<8x128xi32, #tpu.memory_space<vmem>> -> memref<1x128xi32, #tpu.memory_space<vmem>>
    %dma_start3A_10 = tpu.memref_squeeze %dma_start3A_9 : memref<1x128xi32, #tpu.memory_space<vmem>> -> memref<128xi32, #tpu.memory_space<vmem>>
    %dma_start3A_11 = arith.constant 0 : i32
    %dma_start3A_12 = arith.constant 0 : i32
    %dma_start3A_13 = tpu.memref_slice %arg2[%dma_start3A_11, %dma_start3A_12] : memref<1024x128xf32, #tpu.memory_space<hbm>> -> memref<1024x128xf32, #tpu.memory_space<hbm>>
    tpu.enqueue_indirect_dma source(%dma_start3A_13 : memref<1024x128xf32, #tpu.memory_space<hbm>>) target(%dma_start3A_7 : memref<128x128xf32, #tpu.memory_space<vmem>>) offsets(%dma_start3A_10 : memref<128xi32, #tpu.memory_space<vmem>>) semaphore(%arg8 : memref<!tpu.dma_semaphore, #tpu.memory_space<semaphore_mem>>)
    %dma_start3A_14 = arith.constant 1 : i32
    %dma_start3A_15 = arith.constant 1 : i32
    %dma_start3A_16 = arith.constant 0 : i32
    %dma_start3A_17 = arith.constant 0 : i32
    %dma_start3A_18 = tpu.memref_slice %arg6[%dma_start3A_15, %dma_start3A_16, %dma_start3A_17] : memref<2x128x128xf32, #tpu.memory_space<vmem>> -> memref<1x128x128xf32, #tpu.memory_space<vmem>>
    %dma_start3A_19 = tpu.memref_squeeze %dma_start3A_18 : memref<1x128x128xf32, #tpu.memory_space<vmem>> -> memref<128x128xf32, #tpu.memory_space<vmem>>
    %dma_start3A_20 = arith.constant 0 : i32
    %dma_start3A_21 = tpu.memref_slice %arg5[%dma_start3A_14, %dma_start3A_20] : memref<8x128xi32, #tpu.memory_space<vmem>> -> memref<1x128xi32, #tpu.memory_space<vmem>>
    %dma_start3A_22 = tpu.memref_squeeze %dma_start3A_21 : memref<1x128xi32, #tpu.memory_space<vmem>> -> memref<128xi32, #tpu.memory_space<vmem>>
    %dma_start3A_23 = arith.constant 0 : i32
    %dma_start3A_24 = arith.constant 0 : i32
    %dma_start3A_25 = tpu.memref_slice %arg2[%dma_start3A_23, %dma_start3A_24] : memref<1024x128xf32, #tpu.memory_space<hbm>> -> memref<1024x128xf32, #tpu.memory_space<hbm>>
    tpu.enqueue_indirect_dma source(%dma_start3A_25 : memref<1024x128xf32, #tpu.memory_space<hbm>>) target(%dma_start3A_19 : memref<128x128xf32, #tpu.memory_space<vmem>>) offsets(%dma_start3A_22 : memref<128xi32, #tpu.memory_space<vmem>>) semaphore(%arg8 : memref<!tpu.dma_semaphore, #tpu.memory_space<semaphore_mem>>)
    %dma_wait3A = arith.constant 0 : i32
    %dma_wait3A_26 = arith.constant 0 : i32
    %dma_wait3A_27 = arith.constant 0 : i32
    %dma_wait3A_28 = arith.constant 0 : i32
    %dma_wait3A_29 = tpu.memref_slice %arg6[%dma_wait3A_26, %dma_wait3A_27, %dma_wait3A_28] : memref<2x128x128xf32, #tpu.memory_space<vmem>> -> memref<1x128x128xf32, #tpu.memory_space<vmem>>
    %dma_wait3A_30 = tpu.memref_squeeze %dma_wait3A_29 : memref<1x128x128xf32, #tpu.memory_space<vmem>> -> memref<128x128xf32, #tpu.memory_space<vmem>>
    %dma_wait3A_31 = arith.constant 0 : i32
    %dma_wait3A_32 = tpu.memref_slice %arg5[%dma_wait3A, %dma_wait3A_31] : memref<8x128xi32, #tpu.memory_space<vmem>> -> memref<1x128xi32, #tpu.memory_space<vmem>>
    %dma_wait3A_33 = tpu.memref_squeeze %dma_wait3A_32 : memref<1x128xi32, #tpu.memory_space<vmem>> -> memref<128xi32, #tpu.memory_space<vmem>>
    %dma_wait3A_34 = arith.constant 0 : i32
    %dma_wait3A_35 = arith.constant 0 : i32
    %dma_wait3A_36 = tpu.memref_slice %arg2[%dma_wait3A_34, %dma_wait3A_35] : memref<1024x128xf32, #tpu.memory_space<hbm>> -> memref<1024x128xf32, #tpu.memory_space<hbm>>
    tpu.wait_indirect_dma semaphore(%arg8 : memref<!tpu.dma_semaphore, #tpu.memory_space<semaphore_mem>>) src(%dma_wait3A_36 : memref<1024x128xf32, #tpu.memory_space<hbm>>) dst(%dma_wait3A_30 : memref<128x128xf32, #tpu.memory_space<vmem>>)
    %scan3A = arith.constant 0 : i32
    %scan3A_37 = arith.constant 0 : i32
    %scan3A_38 = arith.constant 128 : i32
    %scan3A_39 = arith.addi %scan3A_37, %scan3A_38 : i32
    %scan3A_40 = arith.constant 1 : i32
    scf.for %scan3A_480 = %scan3A_37 to %scan3A_39 step %scan3A_40  : i32 {
      %get3A = arith.constant 0 : i32
      %get3A_481 = arith.index_cast %get3A : i32 to index
      %get3A_482 = arith.index_cast %scan3A_480 : i32 to index
      %get3A_483 = arith.constant 0 : index
      %get3A_484 = tpu.vector_load %arg6[%get3A_481, %get3A_482, %get3A_483] {strides = array<i32>} : memref<2x128x128xf32, #tpu.memory_space<vmem>>, vector<1x1x16xf32>,
      %get3A_485 = vector.shape_cast %get3A_484 : vector<1x1x16xf32> to vector<16xf32>
      %swap3A = arith.constant 0 : i32
      %swap3A_486 = arith.index_cast %swap3A : i32 to index
      %swap3A_487 = arith.index_cast %scan3A_480 : i32 to index
      %swap3A_488 = arith.constant 0 : index
      %swap3A_489 = tpu.vector_load %arg7[%swap3A_486, %swap3A_487, %swap3A_488] {strides = array<i32>} : memref<2x128x64xf32, #tpu.memory_space<vmem>>, vector<1x1x16xf32>,
      %swap3A_490 = vector.shape_cast %swap3A_489 : vector<1x1x16xf32> to vector<16xf32>
      %swap3A_491 = vector.shape_cast %get3A_485 : vector<16xf32> to vector<1x1x16xf32>
      tpu.vector_store %arg7[%swap3A_486, %swap3A_487, %swap3A_488], %swap3A_491 {strides = array<i32>} : memref<2x128x64xf32, #tpu.memory_space<vmem>>, vector<1x1x16xf32>,
      %get3A_492 = arith.constant 0 : i32
      %get3A_493 = arith.index_cast %get3A_492 : i32 to index
      %get3A_494 = arith.index_cast %scan3A_480 : i32 to index
      %get3A_495 = arith.constant 16 : index
      %get3A_496 = tpu.vector_load %arg6[%get3A_493, %get3A_494, %get3A_495] {strides = array<i32>} : memref<2x128x128xf32, #tpu.memory_space<vmem>>, vector<1x1x16xf32>,
      %get3A_497 = vector.shape_cast %get3A_496 : vector<1x1x16xf32> to vector<16xf32>
      %swap3A_498 = arith.constant 0 : i32
      %swap3A_499 = arith.index_cast %swap3A_498 : i32 to index
      %swap3A_500 = arith.index_cast %scan3A_480 : i32 to index
      %swap3A_501 = arith.constant 16 : index
      %swap3A_502 = tpu.vector_load %arg7[%swap3A_499, %swap3A_500, %swap3A_501] {strides = array<i32>} : memref<2x128x64xf32, #tpu.memory_space<vmem>>, vector<1x1x16xf32>,
      %swap3A_503 = vector.shape_cast %swap3A_502 : vector<1x1x16xf32> to vector<16xf32>
      %swap3A_504 = vector.shape_cast %get3A_497 : vector<16xf32> to vector<1x1x16xf32>
      tpu.vector_store %arg7[%swap3A_499, %swap3A_500, %swap3A_501], %swap3A_504 {strides = array<i32>} : memref<2x128x64xf32, #tpu.memory_space<vmem>>, vector<1x1x16xf32>,
      %get3A_505 = arith.constant 0 : i32
      %get3A_506 = arith.index_cast %get3A_505 : i32 to index
      %get3A_507 = arith.index_cast %scan3A_480 : i32 to index
      %get3A_508 = arith.constant 32 : index
      %get3A_509 = tpu.vector_load %arg6[%get3A_506, %get3A_507, %get3A_508] {strides = array<i32>} : memref<2x128x128xf32, #tpu.memory_space<vmem>>, vector<1x1x16xf32>,
      %get3A_510 = vector.shape_cast %get3A_509 : vector<1x1x16xf32> to vector<16xf32>
      %swap3A_511 = arith.constant 0 : i32
      %swap3A_512 = arith.index_cast %swap3A_511 : i32 to index
      %swap3A_513 = arith.index_cast %scan3A_480 : i32 to index
      %swap3A_514 = arith.constant 32 : index
      %swap3A_515 = tpu.vector_load %arg7[%swap3A_512, %swap3A_513, %swap3A_514] {strides = array<i32>} : memref<2x128x64xf32, #tpu.memory_space<vmem>>, vector<1x1x16xf32>,
      %swap3A_516 = vector.shape_cast %swap3A_515 : vector<1x1x16xf32> to vector<16xf32>
      %swap3A_517 = vector.shape_cast %get3A_510 : vector<16xf32> to vector<1x1x16xf32>
      tpu.vector_store %arg7[%swap3A_512, %swap3A_513, %swap3A_514], %swap3A_517 {strides = array<i32>} : memref<2x128x64xf32, #tpu.memory_space<vmem>>, vector<1x1x16xf32>,
      %get3A_518 = arith.constant 0 : i32
      %get3A_519 = arith.index_cast %get3A_518 : i32 to index
      %get3A_520 = arith.index_cast %scan3A_480 : i32 to index
      %get3A_521 = arith.constant 48 : index
      %get3A_522 = tpu.vector_load %arg6[%get3A_519, %get3A_520, %get3A_521] {strides = array<i32>} : memref<2x128x128xf32, #tpu.memory_space<vmem>>, vector<1x1x16xf32>,
      %get3A_523 = vector.shape_cast %get3A_522 : vector<1x1x16xf32> to vector<16xf32>
      %swap3A_524 = arith.constant 0 : i32
      %swap3A_525 = arith.index_cast %swap3A_524 : i32 to index
      %swap3A_526 = arith.index_cast %scan3A_480 : i32 to index
      %swap3A_527 = arith.constant 48 : index
      %swap3A_528 = tpu.vector_load %arg7[%swap3A_525, %swap3A_526, %swap3A_527] {strides = array<i32>} : memref<2x128x64xf32, #tpu.memory_space<vmem>>, vector<1x1x16xf32>,
      %swap3A_529 = vector.shape_cast %swap3A_528 : vector<1x1x16xf32> to vector<16xf32>
      %swap3A_530 = vector.shape_cast %get3A_523 : vector<16xf32> to vector<1x1x16xf32>
      tpu.vector_store %arg7[%swap3A_525, %swap3A_526, %swap3A_527], %swap3A_530 {strides = array<i32>} : memref<2x128x64xf32, #tpu.memory_space<vmem>>, vector<1x1x16xf32>,
    }
    %scan3A_41 = arith.constant 128 : i32
    %dma_start3A_42 = arith.constant 2 : i32
    %dma_start3A_43 = arith.constant 0 : i32
    %dma_start3A_44 = arith.constant 0 : i32
    %dma_start3A_45 = arith.constant 0 : i32
    %dma_start3A_46 = tpu.memref_slice %arg6[%dma_start3A_43, %dma_start3A_44, %dma_start3A_45] : memref<2x128x128xf32, #tpu.memory_space<vmem>> -> memref<1x128x128xf32, #tpu.memory_space<vmem>>
    %dma_start3A_47 = tpu.memref_squeeze %dma_start3A_46 : memref<1x128x128xf32, #tpu.memory_space<vmem>> -> memref<128x128xf32, #tpu.memory_space<vmem>>
    %dma_start3A_48 = arith.constant 0 : i32
    %dma_start3A_49 = tpu.memref_slice %arg5[%dma_start3A_42, %dma_start3A_48] : memref<8x128xi32, #tpu.memory_space<vmem>> -> memref<1x128xi32, #tpu.memory_space<vmem>>
    %dma_start3A_50 = tpu.memref_squeeze %dma_start3A_49 : memref<1x128xi32, #tpu.memory_space<vmem>> -> memref<128xi32, #tpu.memory_space<vmem>>
    %dma_start3A_51 = arith.constant 0 : i32
    %dma_start3A_52 = arith.constant 0 : i32
    %dma_start3A_53 = tpu.memref_slice %arg2[%dma_start3A_51, %dma_start3A_52] : memref<1024x128xf32, #tpu.memory_space<hbm>> -> memref<1024x128xf32, #tpu.memory_space<hbm>>
    tpu.enqueue_indirect_dma source(%dma_start3A_53 : memref<1024x128xf32, #tpu.memory_space<hbm>>) target(%dma_start3A_47 : memref<128x128xf32, #tpu.memory_space<vmem>>) offsets(%dma_start3A_50 : memref<128xi32, #tpu.memory_space<vmem>>) semaphore(%arg8 : memref<!tpu.dma_semaphore, #tpu.memory_space<semaphore_mem>>)
    %add3A_54 = arith.constant 0 : i32
    %add3A_55 = arith.addi %mul3A_2, %add3A_54 : i32
    %mul3A_56 = arith.constant 128 : i32
    %mul3A_57 = arith.muli %add3A_55, %mul3A_56 : i32
    %dma_start3A_58 = arith.constant 0 : i32
    %dma_start3A_59 = arith.constant 0 : i32
    %dma_start3A_60 = arith.constant 0 : i32
    %dma_start3A_61 = tpu.memref_slice %arg7[%dma_start3A_58, %dma_start3A_59, %dma_start3A_60] : memref<2x128x64xf32, #tpu.memory_space<vmem>> -> memref<1x128x64xf32, #tpu.memory_space<vmem>>
    %dma_start3A_62 = tpu.memref_squeeze %dma_start3A_61 : memref<1x128x64xf32, #tpu.memory_space<vmem>> -> memref<128x64xf32, #tpu.memory_space<vmem>>
    %dma_start3A_63 = arith.constant 0 : i32
    %dma_start3A_64 = tpu.memref_slice %arg4[%mul3A_57, %dma_start3A_63] : memref<32768x64xf32, #tpu.memory_space<hbm>> -> memref<128x64xf32, #tpu.memory_space<hbm>>
    %dma_start3A_65 = arith.constant 0 : i32
    %dma_start3A_66 = tpu.memref_slice %arg4[%mul3A_57, %dma_start3A_65] : memref<32768x64xf32, #tpu.memory_space<hbm>> -> memref<128x64xf32, #tpu.memory_space<hbm>>
    %dma_start3A_67 = arith.constant 0 : i32
    %dma_start3A_68 = arith.constant 0 : i32
    %dma_start3A_69 = tpu.memref_slice %arg7[%dma_start3A_58, %dma_start3A_67, %dma_start3A_68] : memref<2x128x64xf32, #tpu.memory_space<vmem>> -> memref<1x128x64xf32, #tpu.memory_space<vmem>>
    %dma_start3A_70 = tpu.memref_squeeze %dma_start3A_69 : memref<1x128x64xf32, #tpu.memory_space<vmem>> -> memref<128x64xf32, #tpu.memory_space<vmem>>
    tpu.enqueue_dma source(%dma_start3A_70 : memref<128x64xf32, #tpu.memory_space<vmem>>) target(%dma_start3A_66 : memref<128x64xf32, #tpu.memory_space<hbm>>) target_semaphore(%arg9 : memref<!tpu.dma_semaphore, #tpu.memory_space<semaphore_mem>>)
    %dma_wait3A_71 = arith.constant 1 : i32
    %dma_wait3A_72 = arith.constant 1 : i32
    %dma_wait3A_73 = arith.constant 0 : i32
    %dma_wait3A_74 = arith.constant 0 : i32
    %dma_wait3A_75 = tpu.memref_slice %arg6[%dma_wait3A_72, %dma_wait3A_73, %dma_wait3A_74] : memref<2x128x128xf32, #tpu.memory_space<vmem>> -> memref<1x128x128xf32, #tpu.memory_space<vmem>>
    %dma_wait3A_76 = tpu.memref_squeeze %dma_wait3A_75 : memref<1x128x128xf32, #tpu.memory_space<vmem>> -> memref<128x128xf32, #tpu.memory_space<vmem>>
    %dma_wait3A_77 = arith.constant 0 : i32
    %dma_wait3A_78 = tpu.memref_slice %arg5[%dma_wait3A_71, %dma_wait3A_77] : memref<8x128xi32, #tpu.memory_space<vmem>> -> memref<1x128xi32, #tpu.memory_space<vmem>>
    %dma_wait3A_79 = tpu.memref_squeeze %dma_wait3A_78 : memref<1x128xi32, #tpu.memory_space<vmem>> -> memref<128xi32, #tpu.memory_space<vmem>>
    %dma_wait3A_80 = arith.constant 0 : i32
    %dma_wait3A_81 = arith.constant 0 : i32
    %dma_wait3A_82 = tpu.memref_slice %arg2[%dma_wait3A_80, %dma_wait3A_81] : memref<1024x128xf32, #tpu.memory_space<hbm>> -> memref<1024x128xf32, #tpu.memory_space<hbm>>
    tpu.wait_indirect_dma semaphore(%arg8 : memref<!tpu.dma_semaphore, #tpu.memory_space<semaphore_mem>>) src(%dma_wait3A_82 : memref<1024x128xf32, #tpu.memory_space<hbm>>) dst(%dma_wait3A_76 : memref<128x128xf32, #tpu.memory_space<vmem>>)
    %scan3A_83 = arith.constant 0 : i32
    %scan3A_84 = arith.constant 0 : i32
    %scan3A_85 = arith.constant 128 : i32
    %scan3A_86 = arith.addi %scan3A_84, %scan3A_85 : i32
    %scan3A_87 = arith.constant 1 : i32
    scf.for %scan3A_480 = %scan3A_84 to %scan3A_86 step %scan3A_87  : i32 {
      %get3A = arith.constant 1 : i32
      %get3A_481 = arith.index_cast %get3A : i32 to index
      %get3A_482 = arith.index_cast %scan3A_480 : i32 to index
      %get3A_483 = arith.constant 0 : index
      %get3A_484 = tpu.vector_load %arg6[%get3A_481, %get3A_482, %get3A_483] {strides = array<i32>} : memref<2x128x128xf32, #tpu.memory_space<vmem>>, vector<1x1x16xf32>,
      %get3A_485 = vector.shape_cast %get3A_484 : vector<1x1x16xf32> to vector<16xf32>
      %swap3A = arith.constant 1 : i32
      %swap3A_486 = arith.index_cast %swap3A : i32 to index
      %swap3A_487 = arith.index_cast %scan3A_480 : i32 to index
      %swap3A_488 = arith.constant 0 : index
      %swap3A_489 = tpu.vector_load %arg7[%swap3A_486, %swap3A_487, %swap3A_488] {strides = array<i32>} : memref<2x128x64xf32, #tpu.memory_space<vmem>>, vector<1x1x16xf32>,
      %swap3A_490 = vector.shape_cast %swap3A_489 : vector<1x1x16xf32> to vector<16xf32>
      %swap3A_491 = vector.shape_cast %get3A_485 : vector<16xf32> to vector<1x1x16xf32>
      tpu.vector_store %arg7[%swap3A_486, %swap3A_487, %swap3A_488], %swap3A_491 {strides = array<i32>} : memref<2x128x64xf32, #tpu.memory_space<vmem>>, vector<1x1x16xf32>,
      %get3A_492 = arith.constant 1 : i32
      %get3A_493 = arith.index_cast %get3A_492 : i32 to index
      %get3A_494 = arith.index_cast %scan3A_480 : i32 to index
      %get3A_495 = arith.constant 16 : index
      %get3A_496 = tpu.vector_load %arg6[%get3A_493, %get3A_494, %get3A_495] {strides = array<i32>} : memref<2x128x128xf32, #tpu.memory_space<vmem>>, vector<1x1x16xf32>,
      %get3A_497 = vector.shape_cast %get3A_496 : vector<1x1x16xf32> to vector<16xf32>
      %swap3A_498 = arith.constant 1 : i32
      %swap3A_499 = arith.index_cast %swap3A_498 : i32 to index
      %swap3A_500 = arith.index_cast %scan3A_480 : i32 to index
      %swap3A_501 = arith.constant 16 : index
      %swap3A_502 = tpu.vector_load %arg7[%swap3A_499, %swap3A_500, %swap3A_501] {strides = array<i32>} : memref<2x128x64xf32, #tpu.memory_space<vmem>>, vector<1x1x16xf32>,
      %swap3A_503 = vector.shape_cast %swap3A_502 : vector<1x1x16xf32> to vector<16xf32>
      %swap3A_504 = vector.shape_cast %get3A_497 : vector<16xf32> to vector<1x1x16xf32>
      tpu.vector_store %arg7[%swap3A_499, %swap3A_500, %swap3A_501], %swap3A_504 {strides = array<i32>} : memref<2x128x64xf32, #tpu.memory_space<vmem>>, vector<1x1x16xf32>,
      %get3A_505 = arith.constant 1 : i32
      %get3A_506 = arith.index_cast %get3A_505 : i32 to index
      %get3A_507 = arith.index_cast %scan3A_480 : i32 to index
      %get3A_508 = arith.constant 32 : index
      %get3A_509 = tpu.vector_load %arg6[%get3A_506, %get3A_507, %get3A_508] {strides = array<i32>} : memref<2x128x128xf32, #tpu.memory_space<vmem>>, vector<1x1x16xf32>,
      %get3A_510 = vector.shape_cast %get3A_509 : vector<1x1x16xf32> to vector<16xf32>
      %swap3A_511 = arith.constant 1 : i32
      %swap3A_512 = arith.index_cast %swap3A_511 : i32 to index
      %swap3A_513 = arith.index_cast %scan3A_480 : i32 to index
      %swap3A_514 = arith.constant 32 : index
      %swap3A_515 = tpu.vector_load %arg7[%swap3A_512, %swap3A_513, %swap3A_514] {strides = array<i32>} : memref<2x128x64xf32, #tpu.memory_space<vmem>>, vector<1x1x16xf32>,
      %swap3A_516 = vector.shape_cast %swap3A_515 : vector<1x1x16xf32> to vector<16xf32>
      %swap3A_517 = vector.shape_cast %get3A_510 : vector<16xf32> to vector<1x1x16xf32>
      tpu.vector_store %arg7[%swap3A_512, %swap3A_513, %swap3A_514], %swap3A_517 {strides = array<i32>} : memref<2x128x64xf32, #tpu.memory_space<vmem>>, vector<1x1x16xf32>,
      %get3A_518 = arith.constant 1 : i32
      %get3A_519 = arith.index_cast %get3A_518 : i32 to index
      %get3A_520 = arith.index_cast %scan3A_480 : i32 to index
      %get3A_521 = arith.constant 48 : index
      %get3A_522 = tpu.vector_load %arg6[%get3A_519, %get3A_520, %get3A_521] {strides = array<i32>} : memref<2x128x128xf32, #tpu.memory_space<vmem>>, vector<1x1x16xf32>,
      %get3A_523 = vector.shape_cast %get3A_522 : vector<1x1x16xf32> to vector<16xf32>
      %swap3A_524 = arith.constant 1 : i32
      %swap3A_525 = arith.index_cast %swap3A_524 : i32 to index
      %swap3A_526 = arith.index_cast %scan3A_480 : i32 to index
      %swap3A_527 = arith.constant 48 : index
      %swap3A_528 = tpu.vector_load %arg7[%swap3A_525, %swap3A_526, %swap3A_527] {strides = array<i32>} : memref<2x128x64xf32, #tpu.memory_space<vmem>>, vector<1x1x16xf32>,
      %swap3A_529 = vector.shape_cast %swap3A_528 : vector<1x1x16xf32> to vector<16xf32>
      %swap3A_530 = vector.shape_cast %get3A_523 : vector<16xf32> to vector<1x1x16xf32>
      tpu.vector_store %arg7[%swap3A_525, %swap3A_526, %swap3A_527], %swap3A_530 {strides = array<i32>} : memref<2x128x64xf32, #tpu.memory_space<vmem>>, vector<1x1x16xf32>,
    }
    %scan3A_88 = arith.constant 128 : i32
    %dma_start3A_89 = arith.constant 3 : i32
    %dma_start3A_90 = arith.constant 1 : i32
    %dma_start3A_91 = arith.constant 0 : i32
    %dma_start3A_92 = arith.constant 0 : i32
    %dma_start3A_93 = tpu.memref_slice %arg6[%dma_start3A_90, %dma_start3A_91, %dma_start3A_92] : memref<2x128x128xf32, #tpu.memory_space<vmem>> -> memref<1x128x128xf32, #tpu.memory_space<vmem>>
    %dma_start3A_94 = tpu.memref_squeeze %dma_start3A_93 : memref<1x128x128xf32, #tpu.memory_space<vmem>> -> memref<128x128xf32, #tpu.memory_space<vmem>>
    %dma_start3A_95 = arith.constant 0 : i32
    %dma_start3A_96 = tpu.memref_slice %arg5[%dma_start3A_89, %dma_start3A_95] : memref<8x128xi32, #tpu.memory_space<vmem>> -> memref<1x128xi32, #tpu.memory_space<vmem>>
    %dma_start3A_97 = tpu.memref_squeeze %dma_start3A_96 : memref<1x128xi32, #tpu.memory_space<vmem>> -> memref<128xi32, #tpu.memory_space<vmem>>
    %dma_start3A_98 = arith.constant 0 : i32
    %dma_start3A_99 = arith.constant 0 : i32
    %dma_start3A_100 = tpu.memref_slice %arg2[%dma_start3A_98, %dma_start3A_99] : memref<1024x128xf32, #tpu.memory_space<hbm>> -> memref<1024x128xf32, #tpu.memory_space<hbm>>
    tpu.enqueue_indirect_dma source(%dma_start3A_100 : memref<1024x128xf32, #tpu.memory_space<hbm>>) target(%dma_start3A_94 : memref<128x128xf32, #tpu.memory_space<vmem>>) offsets(%dma_start3A_97 : memref<128xi32, #tpu.memory_space<vmem>>) semaphore(%arg8 : memref<!tpu.dma_semaphore, #tpu.memory_space<semaphore_mem>>)
    %add3A_101 = arith.constant 1 : i32
    %add3A_102 = arith.addi %mul3A_2, %add3A_101 : i32
    %mul3A_103 = arith.constant 128 : i32
    %mul3A_104 = arith.muli %add3A_102, %mul3A_103 : i32
    %dma_start3A_105 = arith.constant 1 : i32
    %dma_start3A_106 = arith.constant 0 : i32
    %dma_start3A_107 = arith.constant 0 : i32
    %dma_start3A_108 = tpu.memref_slice %arg7[%dma_start3A_105, %dma_start3A_106, %dma_start3A_107] : memref<2x128x64xf32, #tpu.memory_space<vmem>> -> memref<1x128x64xf32, #tpu.memory_space<vmem>>
    %dma_start3A_109 = tpu.memref_squeeze %dma_start3A_108 : memref<1x128x64xf32, #tpu.memory_space<vmem>> -> memref<128x64xf32, #tpu.memory_space<vmem>>
    %dma_start3A_110 = arith.constant 0 : i32
    %dma_start3A_111 = tpu.memref_slice %arg4[%mul3A_104, %dma_start3A_110] : memref<32768x64xf32, #tpu.memory_space<hbm>> -> memref<128x64xf32, #tpu.memory_space<hbm>>
    %dma_start3A_112 = arith.constant 0 : i32
    %dma_start3A_113 = tpu.memref_slice %arg4[%mul3A_104, %dma_start3A_112] : memref<32768x64xf32, #tpu.memory_space<hbm>> -> memref<128x64xf32, #tpu.memory_space<hbm>>
    %dma_start3A_114 = arith.constant 0 : i32
    %dma_start3A_115 = arith.constant 0 : i32
    %dma_start3A_116 = tpu.memref_slice %arg7[%dma_start3A_105, %dma_start3A_114, %dma_start3A_115] : memref<2x128x64xf32, #tpu.memory_space<vmem>> -> memref<1x128x64xf32, #tpu.memory_space<vmem>>
    %dma_start3A_117 = tpu.memref_squeeze %dma_start3A_116 : memref<1x128x64xf32, #tpu.memory_space<vmem>> -> memref<128x64xf32, #tpu.memory_space<vmem>>
    tpu.enqueue_dma source(%dma_start3A_117 : memref<128x64xf32, #tpu.memory_space<vmem>>) target(%dma_start3A_113 : memref<128x64xf32, #tpu.memory_space<hbm>>) target_semaphore(%arg10 : memref<!tpu.dma_semaphore, #tpu.memory_space<semaphore_mem>>)
    %dma_wait3A_118 = arith.constant 2 : i32
    %dma_wait3A_119 = arith.constant 0 : i32
    %dma_wait3A_120 = arith.constant 0 : i32
    %dma_wait3A_121 = arith.constant 0 : i32
    %dma_wait3A_122 = tpu.memref_slice %arg6[%dma_wait3A_119, %dma_wait3A_120, %dma_wait3A_121] : memref<2x128x128xf32, #tpu.memory_space<vmem>> -> memref<1x128x128xf32, #tpu.memory_space<vmem>>
    %dma_wait3A_123 = tpu.memref_squeeze %dma_wait3A_122 : memref<1x128x128xf32, #tpu.memory_space<vmem>> -> memref<128x128xf32, #tpu.memory_space<vmem>>
    %dma_wait3A_124 = arith.constant 0 : i32
    %dma_wait3A_125 = tpu.memref_slice %arg5[%dma_wait3A_118, %dma_wait3A_124] : memref<8x128xi32, #tpu.memory_space<vmem>> -> memref<1x128xi32, #tpu.memory_space<vmem>>
    %dma_wait3A_126 = tpu.memref_squeeze %dma_wait3A_125 : memref<1x128xi32, #tpu.memory_space<vmem>> -> memref<128xi32, #tpu.memory_space<vmem>>
    %dma_wait3A_127 = arith.constant 0 : i32
    %dma_wait3A_128 = arith.constant 0 : i32
    %dma_wait3A_129 = tpu.memref_slice %arg2[%dma_wait3A_127, %dma_wait3A_128] : memref<1024x128xf32, #tpu.memory_space<hbm>> -> memref<1024x128xf32, #tpu.memory_space<hbm>>
    tpu.wait_indirect_dma semaphore(%arg8 : memref<!tpu.dma_semaphore, #tpu.memory_space<semaphore_mem>>) src(%dma_wait3A_129 : memref<1024x128xf32, #tpu.memory_space<hbm>>) dst(%dma_wait3A_123 : memref<128x128xf32, #tpu.memory_space<vmem>>)
    %dma_wait3A_130 = arith.constant 0 : i32
    %dma_wait3A_131 = arith.constant 0 : i32
    %dma_wait3A_132 = arith.constant 0 : i32
    %dma_wait3A_133 = tpu.memref_slice %arg7[%dma_wait3A_130, %dma_wait3A_131, %dma_wait3A_132] : memref<2x128x64xf32, #tpu.memory_space<vmem>> -> memref<1x128x64xf32, #tpu.memory_space<vmem>>
    %dma_wait3A_134 = tpu.memref_squeeze %dma_wait3A_133 : memref<1x128x64xf32, #tpu.memory_space<vmem>> -> memref<128x64xf32, #tpu.memory_space<vmem>>
    %dma_wait3A_135 = arith.constant 0 : i32
    %dma_wait3A_136 = tpu.memref_slice %arg4[%mul3A_57, %dma_wait3A_135] : memref<32768x64xf32, #tpu.memory_space<hbm>> -> memref<128x64xf32, #tpu.memory_space<hbm>>
    %dma_wait3A_137 = arith.constant 0 : i32
    %dma_wait3A_138 = tpu.memref_slice %arg4[%mul3A_57, %dma_wait3A_137] : memref<32768x64xf32, #tpu.memory_space<hbm>> -> memref<128x64xf32, #tpu.memory_space<hbm>>
    %dma_wait3A_139 = arith.constant 0 : i32
    %dma_wait3A_140 = arith.constant 0 : i32
    %dma_wait3A_141 = tpu.memref_slice %arg7[%dma_wait3A_130, %dma_wait3A_139, %dma_wait3A_140] : memref<2x128x64xf32, #tpu.memory_space<vmem>> -> memref<1x128x64xf32, #tpu.memory_space<vmem>>
    %dma_wait3A_142 = tpu.memref_squeeze %dma_wait3A_141 : memref<1x128x64xf32, #tpu.memory_space<vmem>> -> memref<128x64xf32, #tpu.memory_space<vmem>>
    tpu.wait_dma2 semaphore(%arg9 : memref<!tpu.dma_semaphore, #tpu.memory_space<semaphore_mem>>) src(%dma_wait3A_142 : memref<128x64xf32, #tpu.memory_space<vmem>>) dst(%dma_wait3A_138 : memref<128x64xf32, #tpu.memory_space<hbm>>)
    %scan3A_143 = arith.constant 0 : i32
    %scan3A_144 = arith.constant 0 : i32
    %scan3A_145 = arith.constant 128 : i32
    %scan3A_146 = arith.addi %scan3A_144, %scan3A_145 : i32
    %scan3A_147 = arith.constant 1 : i32
    scf.for %scan3A_480 = %scan3A_144 to %scan3A_146 step %scan3A_147  : i32 {
      %get3A = arith.constant 0 : i32
      %get3A_481 = arith.index_cast %get3A : i32 to index
      %get3A_482 = arith.index_cast %scan3A_480 : i32 to index
      %get3A_483 = arith.constant 0 : index
      %get3A_484 = tpu.vector_load %arg6[%get3A_481, %get3A_482, %get3A_483] {strides = array<i32>} : memref<2x128x128xf32, #tpu.memory_space<vmem>>, vector<1x1x16xf32>,
      %get3A_485 = vector.shape_cast %get3A_484 : vector<1x1x16xf32> to vector<16xf32>
      %swap3A = arith.constant 0 : i32
      %swap3A_486 = arith.index_cast %swap3A : i32 to index
      %swap3A_487 = arith.index_cast %scan3A_480 : i32 to index
      %swap3A_488 = arith.constant 0 : index
      %swap3A_489 = tpu.vector_load %arg7[%swap3A_486, %swap3A_487, %swap3A_488] {strides = array<i32>} : memref<2x128x64xf32, #tpu.memory_space<vmem>>, vector<1x1x16xf32>,
      %swap3A_490 = vector.shape_cast %swap3A_489 : vector<1x1x16xf32> to vector<16xf32>
      %swap3A_491 = vector.shape_cast %get3A_485 : vector<16xf32> to vector<1x1x16xf32>
      tpu.vector_store %arg7[%swap3A_486, %swap3A_487, %swap3A_488], %swap3A_491 {strides = array<i32>} : memref<2x128x64xf32, #tpu.memory_space<vmem>>, vector<1x1x16xf32>,
      %get3A_492 = arith.constant 0 : i32
      %get3A_493 = arith.index_cast %get3A_492 : i32 to index
      %get3A_494 = arith.index_cast %scan3A_480 : i32 to index
      %get3A_495 = arith.constant 16 : index
      %get3A_496 = tpu.vector_load %arg6[%get3A_493, %get3A_494, %get3A_495] {strides = array<i32>} : memref<2x128x128xf32, #tpu.memory_space<vmem>>, vector<1x1x16xf32>,
      %get3A_497 = vector.shape_cast %get3A_496 : vector<1x1x16xf32> to vector<16xf32>
      %swap3A_498 = arith.constant 0 : i32
      %swap3A_499 = arith.index_cast %swap3A_498 : i32 to index
      %swap3A_500 = arith.index_cast %scan3A_480 : i32 to index
      %swap3A_501 = arith.constant 16 : index
      %swap3A_502 = tpu.vector_load %arg7[%swap3A_499, %swap3A_500, %swap3A_501] {strides = array<i32>} : memref<2x128x64xf32, #tpu.memory_space<vmem>>, vector<1x1x16xf32>,
      %swap3A_503 = vector.shape_cast %swap3A_502 : vector<1x1x16xf32> to vector<16xf32>
      %swap3A_504 = vector.shape_cast %get3A_497 : vector<16xf32> to vector<1x1x16xf32>
      tpu.vector_store %arg7[%swap3A_499, %swap3A_500, %swap3A_501], %swap3A_504 {strides = array<i32>} : memref<2x128x64xf32, #tpu.memory_space<vmem>>, vector<1x1x16xf32>,
      %get3A_505 = arith.constant 0 : i32
      %get3A_506 = arith.index_cast %get3A_505 : i32 to index
      %get3A_507 = arith.index_cast %scan3A_480 : i32 to index
      %get3A_508 = arith.constant 32 : index
      %get3A_509 = tpu.vector_load %arg6[%get3A_506, %get3A_507, %get3A_508] {strides = array<i32>} : memref<2x128x128xf32, #tpu.memory_space<vmem>>, vector<1x1x16xf32>,
      %get3A_510 = vector.shape_cast %get3A_509 : vector<1x1x16xf32> to vector<16xf32>
      %swap3A_511 = arith.constant 0 : i32
      %swap3A_512 = arith.index_cast %swap3A_511 : i32 to index
      %swap3A_513 = arith.index_cast %scan3A_480 : i32 to index
      %swap3A_514 = arith.constant 32 : index
      %swap3A_515 = tpu.vector_load %arg7[%swap3A_512, %swap3A_513, %swap3A_514] {strides = array<i32>} : memref<2x128x64xf32, #tpu.memory_space<vmem>>, vector<1x1x16xf32>,
      %swap3A_516 = vector.shape_cast %swap3A_515 : vector<1x1x16xf32> to vector<16xf32>
      %swap3A_517 = vector.shape_cast %get3A_510 : vector<16xf32> to vector<1x1x16xf32>
      tpu.vector_store %arg7[%swap3A_512, %swap3A_513, %swap3A_514], %swap3A_517 {strides = array<i32>} : memref<2x128x64xf32, #tpu.memory_space<vmem>>, vector<1x1x16xf32>,
      %get3A_518 = arith.constant 0 : i32
      %get3A_519 = arith.index_cast %get3A_518 : i32 to index
      %get3A_520 = arith.index_cast %scan3A_480 : i32 to index
      %get3A_521 = arith.constant 48 : index
      %get3A_522 = tpu.vector_load %arg6[%get3A_519, %get3A_520, %get3A_521] {strides = array<i32>} : memref<2x128x128xf32, #tpu.memory_space<vmem>>, vector<1x1x16xf32>,
      %get3A_523 = vector.shape_cast %get3A_522 : vector<1x1x16xf32> to vector<16xf32>
      %swap3A_524 = arith.constant 0 : i32
      %swap3A_525 = arith.index_cast %swap3A_524 : i32 to index
      %swap3A_526 = arith.index_cast %scan3A_480 : i32 to index
      %swap3A_527 = arith.constant 48 : index
      %swap3A_528 = tpu.vector_load %arg7[%swap3A_525, %swap3A_526, %swap3A_527] {strides = array<i32>} : memref<2x128x64xf32, #tpu.memory_space<vmem>>, vector<1x1x16xf32>,
      %swap3A_529 = vector.shape_cast %swap3A_528 : vector<1x1x16xf32> to vector<16xf32>
      %swap3A_530 = vector.shape_cast %get3A_523 : vector<16xf32> to vector<1x1x16xf32>
      tpu.vector_store %arg7[%swap3A_525, %swap3A_526, %swap3A_527], %swap3A_530 {strides = array<i32>} : memref<2x128x64xf32, #tpu.memory_space<vmem>>, vector<1x1x16xf32>,
    }
    %scan3A_148 = arith.constant 128 : i32
    %dma_start3A_149 = arith.constant 4 : i32
    %dma_start3A_150 = arith.constant 0 : i32
    %dma_start3A_151 = arith.constant 0 : i32
    %dma_start3A_152 = arith.constant 0 : i32
    %dma_start3A_153 = tpu.memref_slice %arg6[%dma_start3A_150, %dma_start3A_151, %dma_start3A_152] : memref<2x128x128xf32, #tpu.memory_space<vmem>> -> memref<1x128x128xf32, #tpu.memory_space<vmem>>
    %dma_start3A_154 = tpu.memref_squeeze %dma_start3A_153 : memref<1x128x128xf32, #tpu.memory_space<vmem>> -> memref<128x128xf32, #tpu.memory_space<vmem>>
    %dma_start3A_155 = arith.constant 0 : i32
    %dma_start3A_156 = tpu.memref_slice %arg5[%dma_start3A_149, %dma_start3A_155] : memref<8x128xi32, #tpu.memory_space<vmem>> -> memref<1x128xi32, #tpu.memory_space<vmem>>
    %dma_start3A_157 = tpu.memref_squeeze %dma_start3A_156 : memref<1x128xi32, #tpu.memory_space<vmem>> -> memref<128xi32, #tpu.memory_space<vmem>>
    %dma_start3A_158 = arith.constant 0 : i32
    %dma_start3A_159 = arith.constant 0 : i32
    %dma_start3A_160 = tpu.memref_slice %arg2[%dma_start3A_158, %dma_start3A_159] : memref<1024x128xf32, #tpu.memory_space<hbm>> -> memref<1024x128xf32, #tpu.memory_space<hbm>>
    tpu.enqueue_indirect_dma source(%dma_start3A_160 : memref<1024x128xf32, #tpu.memory_space<hbm>>) target(%dma_start3A_154 : memref<128x128xf32, #tpu.memory_space<vmem>>) offsets(%dma_start3A_157 : memref<128xi32, #tpu.memory_space<vmem>>) semaphore(%arg8 : memref<!tpu.dma_semaphore, #tpu.memory_space<semaphore_mem>>)
    %add3A_161 = arith.constant 2 : i32
    %add3A_162 = arith.addi %mul3A_2, %add3A_161 : i32
    %mul3A_163 = arith.constant 128 : i32
    %mul3A_164 = arith.muli %add3A_162, %mul3A_163 : i32
    %dma_start3A_165 = arith.constant 0 : i32
    %dma_start3A_166 = arith.constant 0 : i32
    %dma_start3A_167 = arith.constant 0 : i32
    %dma_start3A_168 = tpu.memref_slice %arg7[%dma_start3A_165, %dma_start3A_166, %dma_start3A_167] : memref<2x128x64xf32, #tpu.memory_space<vmem>> -> memref<1x128x64xf32, #tpu.memory_space<vmem>>
    %dma_start3A_169 = tpu.memref_squeeze %dma_start3A_168 : memref<1x128x64xf32, #tpu.memory_space<vmem>> -> memref<128x64xf32, #tpu.memory_space<vmem>>
    %dma_start3A_170 = arith.constant 0 : i32
    %dma_start3A_171 = tpu.memref_slice %arg4[%mul3A_164, %dma_start3A_170] : memref<32768x64xf32, #tpu.memory_space<hbm>> -> memref<128x64xf32, #tpu.memory_space<hbm>>
    %dma_start3A_172 = arith.constant 0 : i32
    %dma_start3A_173 = tpu.memref_slice %arg4[%mul3A_164, %dma_start3A_172] : memref<32768x64xf32, #tpu.memory_space<hbm>> -> memref<128x64xf32, #tpu.memory_space<hbm>>
    %dma_start3A_174 = arith.constant 0 : i32
    %dma_start3A_175 = arith.constant 0 : i32
    %dma_start3A_176 = tpu.memref_slice %arg7[%dma_start3A_165, %dma_start3A_174, %dma_start3A_175] : memref<2x128x64xf32, #tpu.memory_space<vmem>> -> memref<1x128x64xf32, #tpu.memory_space<vmem>>
    %dma_start3A_177 = tpu.memref_squeeze %dma_start3A_176 : memref<1x128x64xf32, #tpu.memory_space<vmem>> -> memref<128x64xf32, #tpu.memory_space<vmem>>
    tpu.enqueue_dma source(%dma_start3A_177 : memref<128x64xf32, #tpu.memory_space<vmem>>) target(%dma_start3A_173 : memref<128x64xf32, #tpu.memory_space<hbm>>) target_semaphore(%arg9 : memref<!tpu.dma_semaphore, #tpu.memory_space<semaphore_mem>>)
    %dma_wait3A_178 = arith.constant 3 : i32
    %dma_wait3A_179 = arith.constant 1 : i32
    %dma_wait3A_180 = arith.constant 0 : i32
    %dma_wait3A_181 = arith.constant 0 : i32
    %dma_wait3A_182 = tpu.memref_slice %arg6[%dma_wait3A_179, %dma_wait3A_180, %dma_wait3A_181] : memref<2x128x128xf32, #tpu.memory_space<vmem>> -> memref<1x128x128xf32, #tpu.memory_space<vmem>>
    %dma_wait3A_183 = tpu.memref_squeeze %dma_wait3A_182 : memref<1x128x128xf32, #tpu.memory_space<vmem>> -> memref<128x128xf32, #tpu.memory_space<vmem>>
    %dma_wait3A_184 = arith.constant 0 : i32
    %dma_wait3A_185 = tpu.memref_slice %arg5[%dma_wait3A_178, %dma_wait3A_184] : memref<8x128xi32, #tpu.memory_space<vmem>> -> memref<1x128xi32, #tpu.memory_space<vmem>>
    %dma_wait3A_186 = tpu.memref_squeeze %dma_wait3A_185 : memref<1x128xi32, #tpu.memory_space<vmem>> -> memref<128xi32, #tpu.memory_space<vmem>>
    %dma_wait3A_187 = arith.constant 0 : i32
    %dma_wait3A_188 = arith.constant 0 : i32
    %dma_wait3A_189 = tpu.memref_slice %arg2[%dma_wait3A_187, %dma_wait3A_188] : memref<1024x128xf32, #tpu.memory_space<hbm>> -> memref<1024x128xf32, #tpu.memory_space<hbm>>
    tpu.wait_indirect_dma semaphore(%arg8 : memref<!tpu.dma_semaphore, #tpu.memory_space<semaphore_mem>>) src(%dma_wait3A_189 : memref<1024x128xf32, #tpu.memory_space<hbm>>) dst(%dma_wait3A_183 : memref<128x128xf32, #tpu.memory_space<vmem>>)
    %dma_wait3A_190 = arith.constant 1 : i32
    %dma_wait3A_191 = arith.constant 0 : i32
    %dma_wait3A_192 = arith.constant 0 : i32
    %dma_wait3A_193 = tpu.memref_slice %arg7[%dma_wait3A_190, %dma_wait3A_191, %dma_wait3A_192] : memref<2x128x64xf32, #tpu.memory_space<vmem>> -> memref<1x128x64xf32, #tpu.memory_space<vmem>>
    %dma_wait3A_194 = tpu.memref_squeeze %dma_wait3A_193 : memref<1x128x64xf32, #tpu.memory_space<vmem>> -> memref<128x64xf32, #tpu.memory_space<vmem>>
    %dma_wait3A_195 = arith.constant 0 : i32
    %dma_wait3A_196 = tpu.memref_slice %arg4[%mul3A_104, %dma_wait3A_195] : memref<32768x64xf32, #tpu.memory_space<hbm>> -> memref<128x64xf32, #tpu.memory_space<hbm>>
    %dma_wait3A_197 = arith.constant 0 : i32
    %dma_wait3A_198 = tpu.memref_slice %arg4[%mul3A_104, %dma_wait3A_197] : memref<32768x64xf32, #tpu.memory_space<hbm>> -> memref<128x64xf32, #tpu.memory_space<hbm>>
    %dma_wait3A_199 = arith.constant 0 : i32
    %dma_wait3A_200 = arith.constant 0 : i32
    %dma_wait3A_201 = tpu.memref_slice %arg7[%dma_wait3A_190, %dma_wait3A_199, %dma_wait3A_200] : memref<2x128x64xf32, #tpu.memory_space<vmem>> -> memref<1x128x64xf32, #tpu.memory_space<vmem>>
    %dma_wait3A_202 = tpu.memref_squeeze %dma_wait3A_201 : memref<1x128x64xf32, #tpu.memory_space<vmem>> -> memref<128x64xf32, #tpu.memory_space<vmem>>
    tpu.wait_dma2 semaphore(%arg10 : memref<!tpu.dma_semaphore, #tpu.memory_space<semaphore_mem>>) src(%dma_wait3A_202 : memref<128x64xf32, #tpu.memory_space<vmem>>) dst(%dma_wait3A_198 : memref<128x64xf32, #tpu.memory_space<hbm>>)
    %scan3A_203 = arith.constant 0 : i32
    %scan3A_204 = arith.constant 0 : i32
    %scan3A_205 = arith.constant 128 : i32
    %scan3A_206 = arith.addi %scan3A_204, %scan3A_205 : i32
    %scan3A_207 = arith.constant 1 : i32
    scf.for %scan3A_480 = %scan3A_204 to %scan3A_206 step %scan3A_207  : i32 {
      %get3A = arith.constant 1 : i32
      %get3A_481 = arith.index_cast %get3A : i32 to index
      %get3A_482 = arith.index_cast %scan3A_480 : i32 to index
      %get3A_483 = arith.constant 0 : index
      %get3A_484 = tpu.vector_load %arg6[%get3A_481, %get3A_482, %get3A_483] {strides = array<i32>} : memref<2x128x128xf32, #tpu.memory_space<vmem>>, vector<1x1x16xf32>,
      %get3A_485 = vector.shape_cast %get3A_484 : vector<1x1x16xf32> to vector<16xf32>
      %swap3A = arith.constant 1 : i32
      %swap3A_486 = arith.index_cast %swap3A : i32 to index
      %swap3A_487 = arith.index_cast %scan3A_480 : i32 to index
      %swap3A_488 = arith.constant 0 : index
      %swap3A_489 = tpu.vector_load %arg7[%swap3A_486, %swap3A_487, %swap3A_488] {strides = array<i32>} : memref<2x128x64xf32, #tpu.memory_space<vmem>>, vector<1x1x16xf32>,
      %swap3A_490 = vector.shape_cast %swap3A_489 : vector<1x1x16xf32> to vector<16xf32>
      %swap3A_491 = vector.shape_cast %get3A_485 : vector<16xf32> to vector<1x1x16xf32>
      tpu.vector_store %arg7[%swap3A_486, %swap3A_487, %swap3A_488], %swap3A_491 {strides = array<i32>} : memref<2x128x64xf32, #tpu.memory_space<vmem>>, vector<1x1x16xf32>,
      %get3A_492 = arith.constant 1 : i32
      %get3A_493 = arith.index_cast %get3A_492 : i32 to index
      %get3A_494 = arith.index_cast %scan3A_480 : i32 to index
      %get3A_495 = arith.constant 16 : index
      %get3A_496 = tpu.vector_load %arg6[%get3A_493, %get3A_494, %get3A_495] {strides = array<i32>} : memref<2x128x128xf32, #tpu.memory_space<vmem>>, vector<1x1x16xf32>,
      %get3A_497 = vector.shape_cast %get3A_496 : vector<1x1x16xf32> to vector<16xf32>
      %swap3A_498 = arith.constant 1 : i32
      %swap3A_499 = arith.index_cast %swap3A_498 : i32 to index
      %swap3A_500 = arith.index_cast %scan3A_480 : i32 to index
      %swap3A_501 = arith.constant 16 : index
      %swap3A_502 = tpu.vector_load %arg7[%swap3A_499, %swap3A_500, %swap3A_501] {strides = array<i32>} : memref<2x128x64xf32, #tpu.memory_space<vmem>>, vector<1x1x16xf32>,
      %swap3A_503 = vector.shape_cast %swap3A_502 : vector<1x1x16xf32> to vector<16xf32>
      %swap3A_504 = vector.shape_cast %get3A_497 : vector<16xf32> to vector<1x1x16xf32>
      tpu.vector_store %arg7[%swap3A_499, %swap3A_500, %swap3A_501], %swap3A_504 {strides = array<i32>} : memref<2x128x64xf32, #tpu.memory_space<vmem>>, vector<1x1x16xf32>,
      %get3A_505 = arith.constant 1 : i32
      %get3A_506 = arith.index_cast %get3A_505 : i32 to index
      %get3A_507 = arith.index_cast %scan3A_480 : i32 to index
      %get3A_508 = arith.constant 32 : index
      %get3A_509 = tpu.vector_load %arg6[%get3A_506, %get3A_507, %get3A_508] {strides = array<i32>} : memref<2x128x128xf32, #tpu.memory_space<vmem>>, vector<1x1x16xf32>,
      %get3A_510 = vector.shape_cast %get3A_509 : vector<1x1x16xf32> to vector<16xf32>
      %swap3A_511 = arith.constant 1 : i32
      %swap3A_512 = arith.index_cast %swap3A_511 : i32 to index
      %swap3A_513 = arith.index_cast %scan3A_480 : i32 to index
      %swap3A_514 = arith.constant 32 : index
      %swap3A_515 = tpu.vector_load %arg7[%swap3A_512, %swap3A_513, %swap3A_514] {strides = array<i32>} : memref<2x128x64xf32, #tpu.memory_space<vmem>>, vector<1x1x16xf32>,
      %swap3A_516 = vector.shape_cast %swap3A_515 : vector<1x1x16xf32> to vector<16xf32>
      %swap3A_517 = vector.shape_cast %get3A_510 : vector<16xf32> to vector<1x1x16xf32>
      tpu.vector_store %arg7[%swap3A_512, %swap3A_513, %swap3A_514], %swap3A_517 {strides = array<i32>} : memref<2x128x64xf32, #tpu.memory_space<vmem>>, vector<1x1x16xf32>,
      %get3A_518 = arith.constant 1 : i32
      %get3A_519 = arith.index_cast %get3A_518 : i32 to index
      %get3A_520 = arith.index_cast %scan3A_480 : i32 to index
      %get3A_521 = arith.constant 48 : index
      %get3A_522 = tpu.vector_load %arg6[%get3A_519, %get3A_520, %get3A_521] {strides = array<i32>} : memref<2x128x128xf32, #tpu.memory_space<vmem>>, vector<1x1x16xf32>,
      %get3A_523 = vector.shape_cast %get3A_522 : vector<1x1x16xf32> to vector<16xf32>
      %swap3A_524 = arith.constant 1 : i32
      %swap3A_525 = arith.index_cast %swap3A_524 : i32 to index
      %swap3A_526 = arith.index_cast %scan3A_480 : i32 to index
      %swap3A_527 = arith.constant 48 : index
      %swap3A_528 = tpu.vector_load %arg7[%swap3A_525, %swap3A_526, %swap3A_527] {strides = array<i32>} : memref<2x128x64xf32, #tpu.memory_space<vmem>>, vector<1x1x16xf32>,
      %swap3A_529 = vector.shape_cast %swap3A_528 : vector<1x1x16xf32> to vector<16xf32>
      %swap3A_530 = vector.shape_cast %get3A_523 : vector<16xf32> to vector<1x1x16xf32>
      tpu.vector_store %arg7[%swap3A_525, %swap3A_526, %swap3A_527], %swap3A_530 {strides = array<i32>} : memref<2x128x64xf32, #tpu.memory_space<vmem>>, vector<1x1x16xf32>,
    }
    %scan3A_208 = arith.constant 128 : i32
    %dma_start3A_209 = arith.constant 5 : i32
    %dma_start3A_210 = arith.constant 1 : i32
    %dma_start3A_211 = arith.constant 0 : i32
    %dma_start3A_212 = arith.constant 0 : i32
    %dma_start3A_213 = tpu.memref_slice %arg6[%dma_start3A_210, %dma_start3A_211, %dma_start3A_212] : memref<2x128x128xf32, #tpu.memory_space<vmem>> -> memref<1x128x128xf32, #tpu.memory_space<vmem>>
    %dma_start3A_214 = tpu.memref_squeeze %dma_start3A_213 : memref<1x128x128xf32, #tpu.memory_space<vmem>> -> memref<128x128xf32, #tpu.memory_space<vmem>>
    %dma_start3A_215 = arith.constant 0 : i32
    %dma_start3A_216 = tpu.memref_slice %arg5[%dma_start3A_209, %dma_start3A_215] : memref<8x128xi32, #tpu.memory_space<vmem>> -> memref<1x128xi32, #tpu.memory_space<vmem>>
    %dma_start3A_217 = tpu.memref_squeeze %dma_start3A_216 : memref<1x128xi32, #tpu.memory_space<vmem>> -> memref<128xi32, #tpu.memory_space<vmem>>
    %dma_start3A_218 = arith.constant 0 : i32
    %dma_start3A_219 = arith.constant 0 : i32
    %dma_start3A_220 = tpu.memref_slice %arg2[%dma_start3A_218, %dma_start3A_219] : memref<1024x128xf32, #tpu.memory_space<hbm>> -> memref<1024x128xf32, #tpu.memory_space<hbm>>
    tpu.enqueue_indirect_dma source(%dma_start3A_220 : memref<1024x128xf32, #tpu.memory_space<hbm>>) target(%dma_start3A_214 : memref<128x128xf32, #tpu.memory_space<vmem>>) offsets(%dma_start3A_217 : memref<128xi32, #tpu.memory_space<vmem>>) semaphore(%arg8 : memref<!tpu.dma_semaphore, #tpu.memory_space<semaphore_mem>>)
    %add3A_221 = arith.constant 3 : i32
    %add3A_222 = arith.addi %mul3A_2, %add3A_221 : i32
    %mul3A_223 = arith.constant 128 : i32
    %mul3A_224 = arith.muli %add3A_222, %mul3A_223 : i32
    %dma_start3A_225 = arith.constant 1 : i32
    %dma_start3A_226 = arith.constant 0 : i32
    %dma_start3A_227 = arith.constant 0 : i32
    %dma_start3A_228 = tpu.memref_slice %arg7[%dma_start3A_225, %dma_start3A_226, %dma_start3A_227] : memref<2x128x64xf32, #tpu.memory_space<vmem>> -> memref<1x128x64xf32, #tpu.memory_space<vmem>>
    %dma_start3A_229 = tpu.memref_squeeze %dma_start3A_228 : memref<1x128x64xf32, #tpu.memory_space<vmem>> -> memref<128x64xf32, #tpu.memory_space<vmem>>
    %dma_start3A_230 = arith.constant 0 : i32
    %dma_start3A_231 = tpu.memref_slice %arg4[%mul3A_224, %dma_start3A_230] : memref<32768x64xf32, #tpu.memory_space<hbm>> -> memref<128x64xf32, #tpu.memory_space<hbm>>
    %dma_start3A_232 = arith.constant 0 : i32
    %dma_start3A_233 = tpu.memref_slice %arg4[%mul3A_224, %dma_start3A_232] : memref<32768x64xf32, #tpu.memory_space<hbm>> -> memref<128x64xf32, #tpu.memory_space<hbm>>
    %dma_start3A_234 = arith.constant 0 : i32
    %dma_start3A_235 = arith.constant 0 : i32
    %dma_start3A_236 = tpu.memref_slice %arg7[%dma_start3A_225, %dma_start3A_234, %dma_start3A_235] : memref<2x128x64xf32, #tpu.memory_space<vmem>> -> memref<1x128x64xf32, #tpu.memory_space<vmem>>
    %dma_start3A_237 = tpu.memref_squeeze %dma_start3A_236 : memref<1x128x64xf32, #tpu.memory_space<vmem>> -> memref<128x64xf32, #tpu.memory_space<vmem>>
    tpu.enqueue_dma source(%dma_start3A_237 : memref<128x64xf32, #tpu.memory_space<vmem>>) target(%dma_start3A_233 : memref<128x64xf32, #tpu.memory_space<hbm>>) target_semaphore(%arg10 : memref<!tpu.dma_semaphore, #tpu.memory_space<semaphore_mem>>)
    %dma_wait3A_238 = arith.constant 4 : i32
    %dma_wait3A_239 = arith.constant 0 : i32
    %dma_wait3A_240 = arith.constant 0 : i32
    %dma_wait3A_241 = arith.constant 0 : i32
    %dma_wait3A_242 = tpu.memref_slice %arg6[%dma_wait3A_239, %dma_wait3A_240, %dma_wait3A_241] : memref<2x128x128xf32, #tpu.memory_space<vmem>> -> memref<1x128x128xf32, #tpu.memory_space<vmem>>
    %dma_wait3A_243 = tpu.memref_squeeze %dma_wait3A_242 : memref<1x128x128xf32, #tpu.memory_space<vmem>> -> memref<128x128xf32, #tpu.memory_space<vmem>>
    %dma_wait3A_244 = arith.constant 0 : i32
    %dma_wait3A_245 = tpu.memref_slice %arg5[%dma_wait3A_238, %dma_wait3A_244] : memref<8x128xi32, #tpu.memory_space<vmem>> -> memref<1x128xi32, #tpu.memory_space<vmem>>
    %dma_wait3A_246 = tpu.memref_squeeze %dma_wait3A_245 : memref<1x128xi32, #tpu.memory_space<vmem>> -> memref<128xi32, #tpu.memory_space<vmem>>
    %dma_wait3A_247 = arith.constant 0 : i32
    %dma_wait3A_248 = arith.constant 0 : i32
    %dma_wait3A_249 = tpu.memref_slice %arg2[%dma_wait3A_247, %dma_wait3A_248] : memref<1024x128xf32, #tpu.memory_space<hbm>> -> memref<1024x128xf32, #tpu.memory_space<hbm>>
    tpu.wait_indirect_dma semaphore(%arg8 : memref<!tpu.dma_semaphore, #tpu.memory_space<semaphore_mem>>) src(%dma_wait3A_249 : memref<1024x128xf32, #tpu.memory_space<hbm>>) dst(%dma_wait3A_243 : memref<128x128xf32, #tpu.memory_space<vmem>>)
    %dma_wait3A_250 = arith.constant 0 : i32
    %dma_wait3A_251 = arith.constant 0 : i32
    %dma_wait3A_252 = arith.constant 0 : i32
    %dma_wait3A_253 = tpu.memref_slice %arg7[%dma_wait3A_250, %dma_wait3A_251, %dma_wait3A_252] : memref<2x128x64xf32, #tpu.memory_space<vmem>> -> memref<1x128x64xf32, #tpu.memory_space<vmem>>
    %dma_wait3A_254 = tpu.memref_squeeze %dma_wait3A_253 : memref<1x128x64xf32, #tpu.memory_space<vmem>> -> memref<128x64xf32, #tpu.memory_space<vmem>>
    %dma_wait3A_255 = arith.constant 0 : i32
    %dma_wait3A_256 = tpu.memref_slice %arg4[%mul3A_164, %dma_wait3A_255] : memref<32768x64xf32, #tpu.memory_space<hbm>> -> memref<128x64xf32, #tpu.memory_space<hbm>>
    %dma_wait3A_257 = arith.constant 0 : i32
    %dma_wait3A_258 = tpu.memref_slice %arg4[%mul3A_164, %dma_wait3A_257] : memref<32768x64xf32, #tpu.memory_space<hbm>> -> memref<128x64xf32, #tpu.memory_space<hbm>>
    %dma_wait3A_259 = arith.constant 0 : i32
    %dma_wait3A_260 = arith.constant 0 : i32
    %dma_wait3A_261 = tpu.memref_slice %arg7[%dma_wait3A_250, %dma_wait3A_259, %dma_wait3A_260] : memref<2x128x64xf32, #tpu.memory_space<vmem>> -> memref<1x128x64xf32, #tpu.memory_space<vmem>>
    %dma_wait3A_262 = tpu.memref_squeeze %dma_wait3A_261 : memref<1x128x64xf32, #tpu.memory_space<vmem>> -> memref<128x64xf32, #tpu.memory_space<vmem>>
    tpu.wait_dma2 semaphore(%arg9 : memref<!tpu.dma_semaphore, #tpu.memory_space<semaphore_mem>>) src(%dma_wait3A_262 : memref<128x64xf32, #tpu.memory_space<vmem>>) dst(%dma_wait3A_258 : memref<128x64xf32, #tpu.memory_space<hbm>>)
    %scan3A_263 = arith.constant 0 : i32
    %scan3A_264 = arith.constant 0 : i32
    %scan3A_265 = arith.constant 128 : i32
    %scan3A_266 = arith.addi %scan3A_264, %scan3A_265 : i32
    %scan3A_267 = arith.constant 1 : i32
    scf.for %scan3A_480 = %scan3A_264 to %scan3A_266 step %scan3A_267  : i32 {
      %get3A = arith.constant 0 : i32
      %get3A_481 = arith.index_cast %get3A : i32 to index
      %get3A_482 = arith.index_cast %scan3A_480 : i32 to index
      %get3A_483 = arith.constant 0 : index
      %get3A_484 = tpu.vector_load %arg6[%get3A_481, %get3A_482, %get3A_483] {strides = array<i32>} : memref<2x128x128xf32, #tpu.memory_space<vmem>>, vector<1x1x16xf32>,
      %get3A_485 = vector.shape_cast %get3A_484 : vector<1x1x16xf32> to vector<16xf32>
      %swap3A = arith.constant 0 : i32
      %swap3A_486 = arith.index_cast %swap3A : i32 to index
      %swap3A_487 = arith.index_cast %scan3A_480 : i32 to index
      %swap3A_488 = arith.constant 0 : index
      %swap3A_489 = tpu.vector_load %arg7[%swap3A_486, %swap3A_487, %swap3A_488] {strides = array<i32>} : memref<2x128x64xf32, #tpu.memory_space<vmem>>, vector<1x1x16xf32>,
      %swap3A_490 = vector.shape_cast %swap3A_489 : vector<1x1x16xf32> to vector<16xf32>
      %swap3A_491 = vector.shape_cast %get3A_485 : vector<16xf32> to vector<1x1x16xf32>
      tpu.vector_store %arg7[%swap3A_486, %swap3A_487, %swap3A_488], %swap3A_491 {strides = array<i32>} : memref<2x128x64xf32, #tpu.memory_space<vmem>>, vector<1x1x16xf32>,
      %get3A_492 = arith.constant 0 : i32
      %get3A_493 = arith.index_cast %get3A_492 : i32 to index
      %get3A_494 = arith.index_cast %scan3A_480 : i32 to index
      %get3A_495 = arith.constant 16 : index
      %get3A_496 = tpu.vector_load %arg6[%get3A_493, %get3A_494, %get3A_495] {strides = array<i32>} : memref<2x128x128xf32, #tpu.memory_space<vmem>>, vector<1x1x16xf32>,
      %get3A_497 = vector.shape_cast %get3A_496 : vector<1x1x16xf32> to vector<16xf32>
      %swap3A_498 = arith.constant 0 : i32
      %swap3A_499 = arith.index_cast %swap3A_498 : i32 to index
      %swap3A_500 = arith.index_cast %scan3A_480 : i32 to index
      %swap3A_501 = arith.constant 16 : index
      %swap3A_502 = tpu.vector_load %arg7[%swap3A_499, %swap3A_500, %swap3A_501] {strides = array<i32>} : memref<2x128x64xf32, #tpu.memory_space<vmem>>, vector<1x1x16xf32>,
      %swap3A_503 = vector.shape_cast %swap3A_502 : vector<1x1x16xf32> to vector<16xf32>
      %swap3A_504 = vector.shape_cast %get3A_497 : vector<16xf32> to vector<1x1x16xf32>
      tpu.vector_store %arg7[%swap3A_499, %swap3A_500, %swap3A_501], %swap3A_504 {strides = array<i32>} : memref<2x128x64xf32, #tpu.memory_space<vmem>>, vector<1x1x16xf32>,
      %get3A_505 = arith.constant 0 : i32
      %get3A_506 = arith.index_cast %get3A_505 : i32 to index
      %get3A_507 = arith.index_cast %scan3A_480 : i32 to index
      %get3A_508 = arith.constant 32 : index
      %get3A_509 = tpu.vector_load %arg6[%get3A_506, %get3A_507, %get3A_508] {strides = array<i32>} : memref<2x128x128xf32, #tpu.memory_space<vmem>>, vector<1x1x16xf32>,
      %get3A_510 = vector.shape_cast %get3A_509 : vector<1x1x16xf32> to vector<16xf32>
      %swap3A_511 = arith.constant 0 : i32
      %swap3A_512 = arith.index_cast %swap3A_511 : i32 to index
      %swap3A_513 = arith.index_cast %scan3A_480 : i32 to index
      %swap3A_514 = arith.constant 32 : index
      %swap3A_515 = tpu.vector_load %arg7[%swap3A_512, %swap3A_513, %swap3A_514] {strides = array<i32>} : memref<2x128x64xf32, #tpu.memory_space<vmem>>, vector<1x1x16xf32>,
      %swap3A_516 = vector.shape_cast %swap3A_515 : vector<1x1x16xf32> to vector<16xf32>
      %swap3A_517 = vector.shape_cast %get3A_510 : vector<16xf32> to vector<1x1x16xf32>
      tpu.vector_store %arg7[%swap3A_512, %swap3A_513, %swap3A_514], %swap3A_517 {strides = array<i32>} : memref<2x128x64xf32, #tpu.memory_space<vmem>>, vector<1x1x16xf32>,
      %get3A_518 = arith.constant 0 : i32
      %get3A_519 = arith.index_cast %get3A_518 : i32 to index
      %get3A_520 = arith.index_cast %scan3A_480 : i32 to index
      %get3A_521 = arith.constant 48 : index
      %get3A_522 = tpu.vector_load %arg6[%get3A_519, %get3A_520, %get3A_521] {strides = array<i32>} : memref<2x128x128xf32, #tpu.memory_space<vmem>>, vector<1x1x16xf32>,
      %get3A_523 = vector.shape_cast %get3A_522 : vector<1x1x16xf32> to vector<16xf32>
      %swap3A_524 = arith.constant 0 : i32
      %swap3A_525 = arith.index_cast %swap3A_524 : i32 to index
      %swap3A_526 = arith.index_cast %scan3A_480 : i32 to index
      %swap3A_527 = arith.constant 48 : index
      %swap3A_528 = tpu.vector_load %arg7[%swap3A_525, %swap3A_526, %swap3A_527] {strides = array<i32>} : memref<2x128x64xf32, #tpu.memory_space<vmem>>, vector<1x1x16xf32>,
      %swap3A_529 = vector.shape_cast %swap3A_528 : vector<1x1x16xf32> to vector<16xf32>
      %swap3A_530 = vector.shape_cast %get3A_523 : vector<16xf32> to vector<1x1x16xf32>
      tpu.vector_store %arg7[%swap3A_525, %swap3A_526, %swap3A_527], %swap3A_530 {strides = array<i32>} : memref<2x128x64xf32, #tpu.memory_space<vmem>>, vector<1x1x16xf32>,
    }
    %scan3A_268 = arith.constant 128 : i32
    %dma_start3A_269 = arith.constant 6 : i32
    %dma_start3A_270 = arith.constant 0 : i32
    %dma_start3A_271 = arith.constant 0 : i32
    %dma_start3A_272 = arith.constant 0 : i32
    %dma_start3A_273 = tpu.memref_slice %arg6[%dma_start3A_270, %dma_start3A_271, %dma_start3A_272] : memref<2x128x128xf32, #tpu.memory_space<vmem>> -> memref<1x128x128xf32, #tpu.memory_space<vmem>>
    %dma_start3A_274 = tpu.memref_squeeze %dma_start3A_273 : memref<1x128x128xf32, #tpu.memory_space<vmem>> -> memref<128x128xf32, #tpu.memory_space<vmem>>
    %dma_start3A_275 = arith.constant 0 : i32
    %dma_start3A_276 = tpu.memref_slice %arg5[%dma_start3A_269, %dma_start3A_275] : memref<8x128xi32, #tpu.memory_space<vmem>> -> memref<1x128xi32, #tpu.memory_space<vmem>>
    %dma_start3A_277 = tpu.memref_squeeze %dma_start3A_276 : memref<1x128xi32, #tpu.memory_space<vmem>> -> memref<128xi32, #tpu.memory_space<vmem>>
    %dma_start3A_278 = arith.constant 0 : i32
    %dma_start3A_279 = arith.constant 0 : i32
    %dma_start3A_280 = tpu.memref_slice %arg2[%dma_start3A_278, %dma_start3A_279] : memref<1024x128xf32, #tpu.memory_space<hbm>> -> memref<1024x128xf32, #tpu.memory_space<hbm>>
    tpu.enqueue_indirect_dma source(%dma_start3A_280 : memref<1024x128xf32, #tpu.memory_space<hbm>>) target(%dma_start3A_274 : memref<128x128xf32, #tpu.memory_space<vmem>>) offsets(%dma_start3A_277 : memref<128xi32, #tpu.memory_space<vmem>>) semaphore(%arg8 : memref<!tpu.dma_semaphore, #tpu.memory_space<semaphore_mem>>)
    %add3A_281 = arith.constant 4 : i32
    %add3A_282 = arith.addi %mul3A_2, %add3A_281 : i32
    %mul3A_283 = arith.constant 128 : i32
    %mul3A_284 = arith.muli %add3A_282, %mul3A_283 : i32
    %dma_start3A_285 = arith.constant 0 : i32
    %dma_start3A_286 = arith.constant 0 : i32
    %dma_start3A_287 = arith.constant 0 : i32
    %dma_start3A_288 = tpu.memref_slice %arg7[%dma_start3A_285, %dma_start3A_286, %dma_start3A_287] : memref<2x128x64xf32, #tpu.memory_space<vmem>> -> memref<1x128x64xf32, #tpu.memory_space<vmem>>
    %dma_start3A_289 = tpu.memref_squeeze %dma_start3A_288 : memref<1x128x64xf32, #tpu.memory_space<vmem>> -> memref<128x64xf32, #tpu.memory_space<vmem>>
    %dma_start3A_290 = arith.constant 0 : i32
    %dma_start3A_291 = tpu.memref_slice %arg4[%mul3A_284, %dma_start3A_290] : memref<32768x64xf32, #tpu.memory_space<hbm>> -> memref<128x64xf32, #tpu.memory_space<hbm>>
    %dma_start3A_292 = arith.constant 0 : i32
    %dma_start3A_293 = tpu.memref_slice %arg4[%mul3A_284, %dma_start3A_292] : memref<32768x64xf32, #tpu.memory_space<hbm>> -> memref<128x64xf32, #tpu.memory_space<hbm>>
    %dma_start3A_294 = arith.constant 0 : i32
    %dma_start3A_295 = arith.constant 0 : i32
    %dma_start3A_296 = tpu.memref_slice %arg7[%dma_start3A_285, %dma_start3A_294, %dma_start3A_295] : memref<2x128x64xf32, #tpu.memory_space<vmem>> -> memref<1x128x64xf32, #tpu.memory_space<vmem>>
    %dma_start3A_297 = tpu.memref_squeeze %dma_start3A_296 : memref<1x128x64xf32, #tpu.memory_space<vmem>> -> memref<128x64xf32, #tpu.memory_space<vmem>>
    tpu.enqueue_dma source(%dma_start3A_297 : memref<128x64xf32, #tpu.memory_space<vmem>>) target(%dma_start3A_293 : memref<128x64xf32, #tpu.memory_space<hbm>>) target_semaphore(%arg9 : memref<!tpu.dma_semaphore, #tpu.memory_space<semaphore_mem>>)
    %dma_wait3A_298 = arith.constant 5 : i32
    %dma_wait3A_299 = arith.constant 1 : i32
    %dma_wait3A_300 = arith.constant 0 : i32
    %dma_wait3A_301 = arith.constant 0 : i32
    %dma_wait3A_302 = tpu.memref_slice %arg6[%dma_wait3A_299, %dma_wait3A_300, %dma_wait3A_301] : memref<2x128x128xf32, #tpu.memory_space<vmem>> -> memref<1x128x128xf32, #tpu.memory_space<vmem>>
    %dma_wait3A_303 = tpu.memref_squeeze %dma_wait3A_302 : memref<1x128x128xf32, #tpu.memory_space<vmem>> -> memref<128x128xf32, #tpu.memory_space<vmem>>
    %dma_wait3A_304 = arith.constant 0 : i32
    %dma_wait3A_305 = tpu.memref_slice %arg5[%dma_wait3A_298, %dma_wait3A_304] : memref<8x128xi32, #tpu.memory_space<vmem>> -> memref<1x128xi32, #tpu.memory_space<vmem>>
    %dma_wait3A_306 = tpu.memref_squeeze %dma_wait3A_305 : memref<1x128xi32, #tpu.memory_space<vmem>> -> memref<128xi32, #tpu.memory_space<vmem>>
    %dma_wait3A_307 = arith.constant 0 : i32
    %dma_wait3A_308 = arith.constant 0 : i32
    %dma_wait3A_309 = tpu.memref_slice %arg2[%dma_wait3A_307, %dma_wait3A_308] : memref<1024x128xf32, #tpu.memory_space<hbm>> -> memref<1024x128xf32, #tpu.memory_space<hbm>>
    tpu.wait_indirect_dma semaphore(%arg8 : memref<!tpu.dma_semaphore, #tpu.memory_space<semaphore_mem>>) src(%dma_wait3A_309 : memref<1024x128xf32, #tpu.memory_space<hbm>>) dst(%dma_wait3A_303 : memref<128x128xf32, #tpu.memory_space<vmem>>)
    %dma_wait3A_310 = arith.constant 1 : i32
    %dma_wait3A_311 = arith.constant 0 : i32
    %dma_wait3A_312 = arith.constant 0 : i32
    %dma_wait3A_313 = tpu.memref_slice %arg7[%dma_wait3A_310, %dma_wait3A_311, %dma_wait3A_312] : memref<2x128x64xf32, #tpu.memory_space<vmem>> -> memref<1x128x64xf32, #tpu.memory_space<vmem>>
    %dma_wait3A_314 = tpu.memref_squeeze %dma_wait3A_313 : memref<1x128x64xf32, #tpu.memory_space<vmem>> -> memref<128x64xf32, #tpu.memory_space<vmem>>
    %dma_wait3A_315 = arith.constant 0 : i32
    %dma_wait3A_316 = tpu.memref_slice %arg4[%mul3A_224, %dma_wait3A_315] : memref<32768x64xf32, #tpu.memory_space<hbm>> -> memref<128x64xf32, #tpu.memory_space<hbm>>
    %dma_wait3A_317 = arith.constant 0 : i32
    %dma_wait3A_318 = tpu.memref_slice %arg4[%mul3A_224, %dma_wait3A_317] : memref<32768x64xf32, #tpu.memory_space<hbm>> -> memref<128x64xf32, #tpu.memory_space<hbm>>
    %dma_wait3A_319 = arith.constant 0 : i32
    %dma_wait3A_320 = arith.constant 0 : i32
    %dma_wait3A_321 = tpu.memref_slice %arg7[%dma_wait3A_310, %dma_wait3A_319, %dma_wait3A_320] : memref<2x128x64xf32, #tpu.memory_space<vmem>> -> memref<1x128x64xf32, #tpu.memory_space<vmem>>
    %dma_wait3A_322 = tpu.memref_squeeze %dma_wait3A_321 : memref<1x128x64xf32, #tpu.memory_space<vmem>> -> memref<128x64xf32, #tpu.memory_space<vmem>>
    tpu.wait_dma2 semaphore(%arg10 : memref<!tpu.dma_semaphore, #tpu.memory_space<semaphore_mem>>) src(%dma_wait3A_322 : memref<128x64xf32, #tpu.memory_space<vmem>>) dst(%dma_wait3A_318 : memref<128x64xf32, #tpu.memory_space<hbm>>)
    %scan3A_323 = arith.constant 0 : i32
    %scan3A_324 = arith.constant 0 : i32
    %scan3A_325 = arith.constant 128 : i32
    %scan3A_326 = arith.addi %scan3A_324, %scan3A_325 : i32
    %scan3A_327 = arith.constant 1 : i32
    scf.for %scan3A_480 = %scan3A_324 to %scan3A_326 step %scan3A_327  : i32 {
      %get3A = arith.constant 1 : i32
      %get3A_481 = arith.index_cast %get3A : i32 to index
      %get3A_482 = arith.index_cast %scan3A_480 : i32 to index
      %get3A_483 = arith.constant 0 : index
      %get3A_484 = tpu.vector_load %arg6[%get3A_481, %get3A_482, %get3A_483] {strides = array<i32>} : memref<2x128x128xf32, #tpu.memory_space<vmem>>, vector<1x1x16xf32>,
      %get3A_485 = vector.shape_cast %get3A_484 : vector<1x1x16xf32> to vector<16xf32>
      %swap3A = arith.constant 1 : i32
      %swap3A_486 = arith.index_cast %swap3A : i32 to index
      %swap3A_487 = arith.index_cast %scan3A_480 : i32 to index
      %swap3A_488 = arith.constant 0 : index
      %swap3A_489 = tpu.vector_load %arg7[%swap3A_486, %swap3A_487, %swap3A_488] {strides = array<i32>} : memref<2x128x64xf32, #tpu.memory_space<vmem>>, vector<1x1x16xf32>,
      %swap3A_490 = vector.shape_cast %swap3A_489 : vector<1x1x16xf32> to vector<16xf32>
      %swap3A_491 = vector.shape_cast %get3A_485 : vector<16xf32> to vector<1x1x16xf32>
      tpu.vector_store %arg7[%swap3A_486, %swap3A_487, %swap3A_488], %swap3A_491 {strides = array<i32>} : memref<2x128x64xf32, #tpu.memory_space<vmem>>, vector<1x1x16xf32>,
      %get3A_492 = arith.constant 1 : i32
      %get3A_493 = arith.index_cast %get3A_492 : i32 to index
      %get3A_494 = arith.index_cast %scan3A_480 : i32 to index
      %get3A_495 = arith.constant 16 : index
      %get3A_496 = tpu.vector_load %arg6[%get3A_493, %get3A_494, %get3A_495] {strides = array<i32>} : memref<2x128x128xf32, #tpu.memory_space<vmem>>, vector<1x1x16xf32>,
      %get3A_497 = vector.shape_cast %get3A_496 : vector<1x1x16xf32> to vector<16xf32>
      %swap3A_498 = arith.constant 1 : i32
      %swap3A_499 = arith.index_cast %swap3A_498 : i32 to index
      %swap3A_500 = arith.index_cast %scan3A_480 : i32 to index
      %swap3A_501 = arith.constant 16 : index
      %swap3A_502 = tpu.vector_load %arg7[%swap3A_499, %swap3A_500, %swap3A_501] {strides = array<i32>} : memref<2x128x64xf32, #tpu.memory_space<vmem>>, vector<1x1x16xf32>,
      %swap3A_503 = vector.shape_cast %swap3A_502 : vector<1x1x16xf32> to vector<16xf32>
      %swap3A_504 = vector.shape_cast %get3A_497 : vector<16xf32> to vector<1x1x16xf32>
      tpu.vector_store %arg7[%swap3A_499, %swap3A_500, %swap3A_501], %swap3A_504 {strides = array<i32>} : memref<2x128x64xf32, #tpu.memory_space<vmem>>, vector<1x1x16xf32>,
      %get3A_505 = arith.constant 1 : i32
      %get3A_506 = arith.index_cast %get3A_505 : i32 to index
      %get3A_507 = arith.index_cast %scan3A_480 : i32 to index
      %get3A_508 = arith.constant 32 : index
      %get3A_509 = tpu.vector_load %arg6[%get3A_506, %get3A_507, %get3A_508] {strides = array<i32>} : memref<2x128x128xf32, #tpu.memory_space<vmem>>, vector<1x1x16xf32>,
      %get3A_510 = vector.shape_cast %get3A_509 : vector<1x1x16xf32> to vector<16xf32>
      %swap3A_511 = arith.constant 1 : i32
      %swap3A_512 = arith.index_cast %swap3A_511 : i32 to index
      %swap3A_513 = arith.index_cast %scan3A_480 : i32 to index
      %swap3A_514 = arith.constant 32 : index
      %swap3A_515 = tpu.vector_load %arg7[%swap3A_512, %swap3A_513, %swap3A_514] {strides = array<i32>} : memref<2x128x64xf32, #tpu.memory_space<vmem>>, vector<1x1x16xf32>,
      %swap3A_516 = vector.shape_cast %swap3A_515 : vector<1x1x16xf32> to vector<16xf32>
      %swap3A_517 = vector.shape_cast %get3A_510 : vector<16xf32> to vector<1x1x16xf32>
      tpu.vector_store %arg7[%swap3A_512, %swap3A_513, %swap3A_514], %swap3A_517 {strides = array<i32>} : memref<2x128x64xf32, #tpu.memory_space<vmem>>, vector<1x1x16xf32>,
      %get3A_518 = arith.constant 1 : i32
      %get3A_519 = arith.index_cast %get3A_518 : i32 to index
      %get3A_520 = arith.index_cast %scan3A_480 : i32 to index
      %get3A_521 = arith.constant 48 : index
      %get3A_522 = tpu.vector_load %arg6[%get3A_519, %get3A_520, %get3A_521] {strides = array<i32>} : memref<2x128x128xf32, #tpu.memory_space<vmem>>, vector<1x1x16xf32>,
      %get3A_523 = vector.shape_cast %get3A_522 : vector<1x1x16xf32> to vector<16xf32>
      %swap3A_524 = arith.constant 1 : i32
      %swap3A_525 = arith.index_cast %swap3A_524 : i32 to index
      %swap3A_526 = arith.index_cast %scan3A_480 : i32 to index
      %swap3A_527 = arith.constant 48 : index
      %swap3A_528 = tpu.vector_load %arg7[%swap3A_525, %swap3A_526, %swap3A_527] {strides = array<i32>} : memref<2x128x64xf32, #tpu.memory_space<vmem>>, vector<1x1x16xf32>,
      %swap3A_529 = vector.shape_cast %swap3A_528 : vector<1x1x16xf32> to vector<16xf32>
      %swap3A_530 = vector.shape_cast %get3A_523 : vector<16xf32> to vector<1x1x16xf32>
      tpu.vector_store %arg7[%swap3A_525, %swap3A_526, %swap3A_527], %swap3A_530 {strides = array<i32>} : memref<2x128x64xf32, #tpu.memory_space<vmem>>, vector<1x1x16xf32>,
    }
    %scan3A_328 = arith.constant 128 : i32
    %dma_start3A_329 = arith.constant 7 : i32
    %dma_start3A_330 = arith.constant 1 : i32
    %dma_start3A_331 = arith.constant 0 : i32
    %dma_start3A_332 = arith.constant 0 : i32
    %dma_start3A_333 = tpu.memref_slice %arg6[%dma_start3A_330, %dma_start3A_331, %dma_start3A_332] : memref<2x128x128xf32, #tpu.memory_space<vmem>> -> memref<1x128x128xf32, #tpu.memory_space<vmem>>
    %dma_start3A_334 = tpu.memref_squeeze %dma_start3A_333 : memref<1x128x128xf32, #tpu.memory_space<vmem>> -> memref<128x128xf32, #tpu.memory_space<vmem>>
    %dma_start3A_335 = arith.constant 0 : i32
    %dma_start3A_336 = tpu.memref_slice %arg5[%dma_start3A_329, %dma_start3A_335] : memref<8x128xi32, #tpu.memory_space<vmem>> -> memref<1x128xi32, #tpu.memory_space<vmem>>
    %dma_start3A_337 = tpu.memref_squeeze %dma_start3A_336 : memref<1x128xi32, #tpu.memory_space<vmem>> -> memref<128xi32, #tpu.memory_space<vmem>>
    %dma_start3A_338 = arith.constant 0 : i32
    %dma_start3A_339 = arith.constant 0 : i32
    %dma_start3A_340 = tpu.memref_slice %arg2[%dma_start3A_338, %dma_start3A_339] : memref<1024x128xf32, #tpu.memory_space<hbm>> -> memref<1024x128xf32, #tpu.memory_space<hbm>>
    tpu.enqueue_indirect_dma source(%dma_start3A_340 : memref<1024x128xf32, #tpu.memory_space<hbm>>) target(%dma_start3A_334 : memref<128x128xf32, #tpu.memory_space<vmem>>) offsets(%dma_start3A_337 : memref<128xi32, #tpu.memory_space<vmem>>) semaphore(%arg8 : memref<!tpu.dma_semaphore, #tpu.memory_space<semaphore_mem>>)
    %add3A_341 = arith.constant 5 : i32
    %add3A_342 = arith.addi %mul3A_2, %add3A_341 : i32
    %mul3A_343 = arith.constant 128 : i32
    %mul3A_344 = arith.muli %add3A_342, %mul3A_343 : i32
    %dma_start3A_345 = arith.constant 1 : i32
    %dma_start3A_346 = arith.constant 0 : i32
    %dma_start3A_347 = arith.constant 0 : i32
    %dma_start3A_348 = tpu.memref_slice %arg7[%dma_start3A_345, %dma_start3A_346, %dma_start3A_347] : memref<2x128x64xf32, #tpu.memory_space<vmem>> -> memref<1x128x64xf32, #tpu.memory_space<vmem>>
    %dma_start3A_349 = tpu.memref_squeeze %dma_start3A_348 : memref<1x128x64xf32, #tpu.memory_space<vmem>> -> memref<128x64xf32, #tpu.memory_space<vmem>>
    %dma_start3A_350 = arith.constant 0 : i32
    %dma_start3A_351 = tpu.memref_slice %arg4[%mul3A_344, %dma_start3A_350] : memref<32768x64xf32, #tpu.memory_space<hbm>> -> memref<128x64xf32, #tpu.memory_space<hbm>>
    %dma_start3A_352 = arith.constant 0 : i32
    %dma_start3A_353 = tpu.memref_slice %arg4[%mul3A_344, %dma_start3A_352] : memref<32768x64xf32, #tpu.memory_space<hbm>> -> memref<128x64xf32, #tpu.memory_space<hbm>>
    %dma_start3A_354 = arith.constant 0 : i32
    %dma_start3A_355 = arith.constant 0 : i32
    %dma_start3A_356 = tpu.memref_slice %arg7[%dma_start3A_345, %dma_start3A_354, %dma_start3A_355] : memref<2x128x64xf32, #tpu.memory_space<vmem>> -> memref<1x128x64xf32, #tpu.memory_space<vmem>>
    %dma_start3A_357 = tpu.memref_squeeze %dma_start3A_356 : memref<1x128x64xf32, #tpu.memory_space<vmem>> -> memref<128x64xf32, #tpu.memory_space<vmem>>
    tpu.enqueue_dma source(%dma_start3A_357 : memref<128x64xf32, #tpu.memory_space<vmem>>) target(%dma_start3A_353 : memref<128x64xf32, #tpu.memory_space<hbm>>) target_semaphore(%arg10 : memref<!tpu.dma_semaphore, #tpu.memory_space<semaphore_mem>>)
    %dma_wait3A_358 = arith.constant 6 : i32
    %dma_wait3A_359 = arith.constant 0 : i32
    %dma_wait3A_360 = arith.constant 0 : i32
    %dma_wait3A_361 = arith.constant 0 : i32
    %dma_wait3A_362 = tpu.memref_slice %arg6[%dma_wait3A_359, %dma_wait3A_360, %dma_wait3A_361] : memref<2x128x128xf32, #tpu.memory_space<vmem>> -> memref<1x128x128xf32, #tpu.memory_space<vmem>>
    %dma_wait3A_363 = tpu.memref_squeeze %dma_wait3A_362 : memref<1x128x128xf32, #tpu.memory_space<vmem>> -> memref<128x128xf32, #tpu.memory_space<vmem>>
    %dma_wait3A_364 = arith.constant 0 : i32
    %dma_wait3A_365 = tpu.memref_slice %arg5[%dma_wait3A_358, %dma_wait3A_364] : memref<8x128xi32, #tpu.memory_space<vmem>> -> memref<1x128xi32, #tpu.memory_space<vmem>>
    %dma_wait3A_366 = tpu.memref_squeeze %dma_wait3A_365 : memref<1x128xi32, #tpu.memory_space<vmem>> -> memref<128xi32, #tpu.memory_space<vmem>>
    %dma_wait3A_367 = arith.constant 0 : i32
    %dma_wait3A_368 = arith.constant 0 : i32
    %dma_wait3A_369 = tpu.memref_slice %arg2[%dma_wait3A_367, %dma_wait3A_368] : memref<1024x128xf32, #tpu.memory_space<hbm>> -> memref<1024x128xf32, #tpu.memory_space<hbm>>
    tpu.wait_indirect_dma semaphore(%arg8 : memref<!tpu.dma_semaphore, #tpu.memory_space<semaphore_mem>>) src(%dma_wait3A_369 : memref<1024x128xf32, #tpu.memory_space<hbm>>) dst(%dma_wait3A_363 : memref<128x128xf32, #tpu.memory_space<vmem>>)
    %dma_wait3A_370 = arith.constant 0 : i32
    %dma_wait3A_371 = arith.constant 0 : i32
    %dma_wait3A_372 = arith.constant 0 : i32
    %dma_wait3A_373 = tpu.memref_slice %arg7[%dma_wait3A_370, %dma_wait3A_371, %dma_wait3A_372] : memref<2x128x64xf32, #tpu.memory_space<vmem>> -> memref<1x128x64xf32, #tpu.memory_space<vmem>>
    %dma_wait3A_374 = tpu.memref_squeeze %dma_wait3A_373 : memref<1x128x64xf32, #tpu.memory_space<vmem>> -> memref<128x64xf32, #tpu.memory_space<vmem>>
    %dma_wait3A_375 = arith.constant 0 : i32
    %dma_wait3A_376 = tpu.memref_slice %arg4[%mul3A_284, %dma_wait3A_375] : memref<32768x64xf32, #tpu.memory_space<hbm>> -> memref<128x64xf32, #tpu.memory_space<hbm>>
    %dma_wait3A_377 = arith.constant 0 : i32
    %dma_wait3A_378 = tpu.memref_slice %arg4[%mul3A_284, %dma_wait3A_377] : memref<32768x64xf32, #tpu.memory_space<hbm>> -> memref<128x64xf32, #tpu.memory_space<hbm>>
    %dma_wait3A_379 = arith.constant 0 : i32
    %dma_wait3A_380 = arith.constant 0 : i32
    %dma_wait3A_381 = tpu.memref_slice %arg7[%dma_wait3A_370, %dma_wait3A_379, %dma_wait3A_380] : memref<2x128x64xf32, #tpu.memory_space<vmem>> -> memref<1x128x64xf32, #tpu.memory_space<vmem>>
    %dma_wait3A_382 = tpu.memref_squeeze %dma_wait3A_381 : memref<1x128x64xf32, #tpu.memory_space<vmem>> -> memref<128x64xf32, #tpu.memory_space<vmem>>
    tpu.wait_dma2 semaphore(%arg9 : memref<!tpu.dma_semaphore, #tpu.memory_space<semaphore_mem>>) src(%dma_wait3A_382 : memref<128x64xf32, #tpu.memory_space<vmem>>) dst(%dma_wait3A_378 : memref<128x64xf32, #tpu.memory_space<hbm>>)
    %scan3A_383 = arith.constant 0 : i32
    %scan3A_384 = arith.constant 0 : i32
    %scan3A_385 = arith.constant 128 : i32
    %scan3A_386 = arith.addi %scan3A_384, %scan3A_385 : i32
    %scan3A_387 = arith.constant 1 : i32
    scf.for %scan3A_480 = %scan3A_384 to %scan3A_386 step %scan3A_387  : i32 {
      %get3A = arith.constant 0 : i32
      %get3A_481 = arith.index_cast %get3A : i32 to index
      %get3A_482 = arith.index_cast %scan3A_480 : i32 to index
      %get3A_483 = arith.constant 0 : index
      %get3A_484 = tpu.vector_load %arg6[%get3A_481, %get3A_482, %get3A_483] {strides = array<i32>} : memref<2x128x128xf32, #tpu.memory_space<vmem>>, vector<1x1x16xf32>,
      %get3A_485 = vector.shape_cast %get3A_484 : vector<1x1x16xf32> to vector<16xf32>
      %swap3A = arith.constant 0 : i32
      %swap3A_486 = arith.index_cast %swap3A : i32 to index
      %swap3A_487 = arith.index_cast %scan3A_480 : i32 to index
      %swap3A_488 = arith.constant 0 : index
      %swap3A_489 = tpu.vector_load %arg7[%swap3A_486, %swap3A_487, %swap3A_488] {strides = array<i32>} : memref<2x128x64xf32, #tpu.memory_space<vmem>>, vector<1x1x16xf32>,
      %swap3A_490 = vector.shape_cast %swap3A_489 : vector<1x1x16xf32> to vector<16xf32>
      %swap3A_491 = vector.shape_cast %get3A_485 : vector<16xf32> to vector<1x1x16xf32>
      tpu.vector_store %arg7[%swap3A_486, %swap3A_487, %swap3A_488], %swap3A_491 {strides = array<i32>} : memref<2x128x64xf32, #tpu.memory_space<vmem>>, vector<1x1x16xf32>,
      %get3A_492 = arith.constant 0 : i32
      %get3A_493 = arith.index_cast %get3A_492 : i32 to index
      %get3A_494 = arith.index_cast %scan3A_480 : i32 to index
      %get3A_495 = arith.constant 16 : index
      %get3A_496 = tpu.vector_load %arg6[%get3A_493, %get3A_494, %get3A_495] {strides = array<i32>} : memref<2x128x128xf32, #tpu.memory_space<vmem>>, vector<1x1x16xf32>,
      %get3A_497 = vector.shape_cast %get3A_496 : vector<1x1x16xf32> to vector<16xf32>
      %swap3A_498 = arith.constant 0 : i32
      %swap3A_499 = arith.index_cast %swap3A_498 : i32 to index
      %swap3A_500 = arith.index_cast %scan3A_480 : i32 to index
      %swap3A_501 = arith.constant 16 : index
      %swap3A_502 = tpu.vector_load %arg7[%swap3A_499, %swap3A_500, %swap3A_501] {strides = array<i32>} : memref<2x128x64xf32, #tpu.memory_space<vmem>>, vector<1x1x16xf32>,
      %swap3A_503 = vector.shape_cast %swap3A_502 : vector<1x1x16xf32> to vector<16xf32>
      %swap3A_504 = vector.shape_cast %get3A_497 : vector<16xf32> to vector<1x1x16xf32>
      tpu.vector_store %arg7[%swap3A_499, %swap3A_500, %swap3A_501], %swap3A_504 {strides = array<i32>} : memref<2x128x64xf32, #tpu.memory_space<vmem>>, vector<1x1x16xf32>,
      %get3A_505 = arith.constant 0 : i32
      %get3A_506 = arith.index_cast %get3A_505 : i32 to index
      %get3A_507 = arith.index_cast %scan3A_480 : i32 to index
      %get3A_508 = arith.constant 32 : index
      %get3A_509 = tpu.vector_load %arg6[%get3A_506, %get3A_507, %get3A_508] {strides = array<i32>} : memref<2x128x128xf32, #tpu.memory_space<vmem>>, vector<1x1x16xf32>,
      %get3A_510 = vector.shape_cast %get3A_509 : vector<1x1x16xf32> to vector<16xf32>
      %swap3A_511 = arith.constant 0 : i32
      %swap3A_512 = arith.index_cast %swap3A_511 : i32 to index
      %swap3A_513 = arith.index_cast %scan3A_480 : i32 to index
      %swap3A_514 = arith.constant 32 : index
      %swap3A_515 = tpu.vector_load %arg7[%swap3A_512, %swap3A_513, %swap3A_514] {strides = array<i32>} : memref<2x128x64xf32, #tpu.memory_space<vmem>>, vector<1x1x16xf32>,
      %swap3A_516 = vector.shape_cast %swap3A_515 : vector<1x1x16xf32> to vector<16xf32>
      %swap3A_517 = vector.shape_cast %get3A_510 : vector<16xf32> to vector<1x1x16xf32>
      tpu.vector_store %arg7[%swap3A_512, %swap3A_513, %swap3A_514], %swap3A_517 {strides = array<i32>} : memref<2x128x64xf32, #tpu.memory_space<vmem>>, vector<1x1x16xf32>,
      %get3A_518 = arith.constant 0 : i32
      %get3A_519 = arith.index_cast %get3A_518 : i32 to index
      %get3A_520 = arith.index_cast %scan3A_480 : i32 to index
      %get3A_521 = arith.constant 48 : index
      %get3A_522 = tpu.vector_load %arg6[%get3A_519, %get3A_520, %get3A_521] {strides = array<i32>} : memref<2x128x128xf32, #tpu.memory_space<vmem>>, vector<1x1x16xf32>,
      %get3A_523 = vector.shape_cast %get3A_522 : vector<1x1x16xf32> to vector<16xf32>
      %swap3A_524 = arith.constant 0 : i32
      %swap3A_525 = arith.index_cast %swap3A_524 : i32 to index
      %swap3A_526 = arith.index_cast %scan3A_480 : i32 to index
      %swap3A_527 = arith.constant 48 : index
      %swap3A_528 = tpu.vector_load %arg7[%swap3A_525, %swap3A_526, %swap3A_527] {strides = array<i32>} : memref<2x128x64xf32, #tpu.memory_space<vmem>>, vector<1x1x16xf32>,
      %swap3A_529 = vector.shape_cast %swap3A_528 : vector<1x1x16xf32> to vector<16xf32>
      %swap3A_530 = vector.shape_cast %get3A_523 : vector<16xf32> to vector<1x1x16xf32>
      tpu.vector_store %arg7[%swap3A_525, %swap3A_526, %swap3A_527], %swap3A_530 {strides = array<i32>} : memref<2x128x64xf32, #tpu.memory_space<vmem>>, vector<1x1x16xf32>,
    }
    %scan3A_388 = arith.constant 128 : i32
    %add3A_389 = arith.constant 6 : i32
    %add3A_390 = arith.addi %mul3A_2, %add3A_389 : i32
    %mul3A_391 = arith.constant 128 : i32
    %mul3A_392 = arith.muli %add3A_390, %mul3A_391 : i32
    %dma_start3A_393 = arith.constant 0 : i32
    %dma_start3A_394 = arith.constant 0 : i32
    %dma_start3A_395 = arith.constant 0 : i32
    %dma_start3A_396 = tpu.memref_slice %arg7[%dma_start3A_393, %dma_start3A_394, %dma_start3A_395] : memref<2x128x64xf32, #tpu.memory_space<vmem>> -> memref<1x128x64xf32, #tpu.memory_space<vmem>>
    %dma_start3A_397 = tpu.memref_squeeze %dma_start3A_396 : memref<1x128x64xf32, #tpu.memory_space<vmem>> -> memref<128x64xf32, #tpu.memory_space<vmem>>
    %dma_start3A_398 = arith.constant 0 : i32
    %dma_start3A_399 = tpu.memref_slice %arg4[%mul3A_392, %dma_start3A_398] : memref<32768x64xf32, #tpu.memory_space<hbm>> -> memref<128x64xf32, #tpu.memory_space<hbm>>
    %dma_start3A_400 = arith.constant 0 : i32
    %dma_start3A_401 = tpu.memref_slice %arg4[%mul3A_392, %dma_start3A_400] : memref<32768x64xf32, #tpu.memory_space<hbm>> -> memref<128x64xf32, #tpu.memory_space<hbm>>
    %dma_start3A_402 = arith.constant 0 : i32
    %dma_start3A_403 = arith.constant 0 : i32
    %dma_start3A_404 = tpu.memref_slice %arg7[%dma_start3A_393, %dma_start3A_402, %dma_start3A_403] : memref<2x128x64xf32, #tpu.memory_space<vmem>> -> memref<1x128x64xf32, #tpu.memory_space<vmem>>
    %dma_start3A_405 = tpu.memref_squeeze %dma_start3A_404 : memref<1x128x64xf32, #tpu.memory_space<vmem>> -> memref<128x64xf32, #tpu.memory_space<vmem>>
    tpu.enqueue_dma source(%dma_start3A_405 : memref<128x64xf32, #tpu.memory_space<vmem>>) target(%dma_start3A_401 : memref<128x64xf32, #tpu.memory_space<hbm>>) target_semaphore(%arg9 : memref<!tpu.dma_semaphore, #tpu.memory_space<semaphore_mem>>)
    %dma_wait3A_406 = arith.constant 7 : i32
    %dma_wait3A_407 = arith.constant 1 : i32
    %dma_wait3A_408 = arith.constant 0 : i32
    %dma_wait3A_409 = arith.constant 0 : i32
    %dma_wait3A_410 = tpu.memref_slice %arg6[%dma_wait3A_407, %dma_wait3A_408, %dma_wait3A_409] : memref<2x128x128xf32, #tpu.memory_space<vmem>> -> memref<1x128x128xf32, #tpu.memory_space<vmem>>
    %dma_wait3A_411 = tpu.memref_squeeze %dma_wait3A_410 : memref<1x128x128xf32, #tpu.memory_space<vmem>> -> memref<128x128xf32, #tpu.memory_space<vmem>>
    %dma_wait3A_412 = arith.constant 0 : i32
    %dma_wait3A_413 = tpu.memref_slice %arg5[%dma_wait3A_406, %dma_wait3A_412] : memref<8x128xi32, #tpu.memory_space<vmem>> -> memref<1x128xi32, #tpu.memory_space<vmem>>
    %dma_wait3A_414 = tpu.memref_squeeze %dma_wait3A_413 : memref<1x128xi32, #tpu.memory_space<vmem>> -> memref<128xi32, #tpu.memory_space<vmem>>
    %dma_wait3A_415 = arith.constant 0 : i32
    %dma_wait3A_416 = arith.constant 0 : i32
    %dma_wait3A_417 = tpu.memref_slice %arg2[%dma_wait3A_415, %dma_wait3A_416] : memref<1024x128xf32, #tpu.memory_space<hbm>> -> memref<1024x128xf32, #tpu.memory_space<hbm>>
    tpu.wait_indirect_dma semaphore(%arg8 : memref<!tpu.dma_semaphore, #tpu.memory_space<semaphore_mem>>) src(%dma_wait3A_417 : memref<1024x128xf32, #tpu.memory_space<hbm>>) dst(%dma_wait3A_411 : memref<128x128xf32, #tpu.memory_space<vmem>>)
    %dma_wait3A_418 = arith.constant 1 : i32
    %dma_wait3A_419 = arith.constant 0 : i32
    %dma_wait3A_420 = arith.constant 0 : i32
    %dma_wait3A_421 = tpu.memref_slice %arg7[%dma_wait3A_418, %dma_wait3A_419, %dma_wait3A_420] : memref<2x128x64xf32, #tpu.memory_space<vmem>> -> memref<1x128x64xf32, #tpu.memory_space<vmem>>
    %dma_wait3A_422 = tpu.memref_squeeze %dma_wait3A_421 : memref<1x128x64xf32, #tpu.memory_space<vmem>> -> memref<128x64xf32, #tpu.memory_space<vmem>>
    %dma_wait3A_423 = arith.constant 0 : i32
    %dma_wait3A_424 = tpu.memref_slice %arg4[%mul3A_344, %dma_wait3A_423] : memref<32768x64xf32, #tpu.memory_space<hbm>> -> memref<128x64xf32, #tpu.memory_space<hbm>>
    %dma_wait3A_425 = arith.constant 0 : i32
    %dma_wait3A_426 = tpu.memref_slice %arg4[%mul3A_344, %dma_wait3A_425] : memref<32768x64xf32, #tpu.memory_space<hbm>> -> memref<128x64xf32, #tpu.memory_space<hbm>>
    %dma_wait3A_427 = arith.constant 0 : i32
    %dma_wait3A_428 = arith.constant 0 : i32
    %dma_wait3A_429 = tpu.memref_slice %arg7[%dma_wait3A_418, %dma_wait3A_427, %dma_wait3A_428] : memref<2x128x64xf32, #tpu.memory_space<vmem>> -> memref<1x128x64xf32, #tpu.memory_space<vmem>>
    %dma_wait3A_430 = tpu.memref_squeeze %dma_wait3A_429 : memref<1x128x64xf32, #tpu.memory_space<vmem>> -> memref<128x64xf32, #tpu.memory_space<vmem>>
    tpu.wait_dma2 semaphore(%arg10 : memref<!tpu.dma_semaphore, #tpu.memory_space<semaphore_mem>>) src(%dma_wait3A_430 : memref<128x64xf32, #tpu.memory_space<vmem>>) dst(%dma_wait3A_426 : memref<128x64xf32, #tpu.memory_space<hbm>>)
    %scan3A_431 = arith.constant 0 : i32
    %scan3A_432 = arith.constant 0 : i32
    %scan3A_433 = arith.constant 128 : i32
    %scan3A_434 = arith.addi %scan3A_432, %scan3A_433 : i32
    %scan3A_435 = arith.constant 1 : i32
    scf.for %scan3A_480 = %scan3A_432 to %scan3A_434 step %scan3A_435  : i32 {
      %get3A = arith.constant 1 : i32
      %get3A_481 = arith.index_cast %get3A : i32 to index
      %get3A_482 = arith.index_cast %scan3A_480 : i32 to index
      %get3A_483 = arith.constant 0 : index
      %get3A_484 = tpu.vector_load %arg6[%get3A_481, %get3A_482, %get3A_483] {strides = array<i32>} : memref<2x128x128xf32, #tpu.memory_space<vmem>>, vector<1x1x16xf32>,
      %get3A_485 = vector.shape_cast %get3A_484 : vector<1x1x16xf32> to vector<16xf32>
      %swap3A = arith.constant 1 : i32
      %swap3A_486 = arith.index_cast %swap3A : i32 to index
      %swap3A_487 = arith.index_cast %scan3A_480 : i32 to index
      %swap3A_488 = arith.constant 0 : index
      %swap3A_489 = tpu.vector_load %arg7[%swap3A_486, %swap3A_487, %swap3A_488] {strides = array<i32>} : memref<2x128x64xf32, #tpu.memory_space<vmem>>, vector<1x1x16xf32>,
      %swap3A_490 = vector.shape_cast %swap3A_489 : vector<1x1x16xf32> to vector<16xf32>
      %swap3A_491 = vector.shape_cast %get3A_485 : vector<16xf32> to vector<1x1x16xf32>
      tpu.vector_store %arg7[%swap3A_486, %swap3A_487, %swap3A_488], %swap3A_491 {strides = array<i32>} : memref<2x128x64xf32, #tpu.memory_space<vmem>>, vector<1x1x16xf32>,
      %get3A_492 = arith.constant 1 : i32
      %get3A_493 = arith.index_cast %get3A_492 : i32 to index
      %get3A_494 = arith.index_cast %scan3A_480 : i32 to index
      %get3A_495 = arith.constant 16 : index
      %get3A_496 = tpu.vector_load %arg6[%get3A_493, %get3A_494, %get3A_495] {strides = array<i32>} : memref<2x128x128xf32, #tpu.memory_space<vmem>>, vector<1x1x16xf32>,
      %get3A_497 = vector.shape_cast %get3A_496 : vector<1x1x16xf32> to vector<16xf32>
      %swap3A_498 = arith.constant 1 : i32
      %swap3A_499 = arith.index_cast %swap3A_498 : i32 to index
      %swap3A_500 = arith.index_cast %scan3A_480 : i32 to index
      %swap3A_501 = arith.constant 16 : index
      %swap3A_502 = tpu.vector_load %arg7[%swap3A_499, %swap3A_500, %swap3A_501] {strides = array<i32>} : memref<2x128x64xf32, #tpu.memory_space<vmem>>, vector<1x1x16xf32>,
      %swap3A_503 = vector.shape_cast %swap3A_502 : vector<1x1x16xf32> to vector<16xf32>
      %swap3A_504 = vector.shape_cast %get3A_497 : vector<16xf32> to vector<1x1x16xf32>
      tpu.vector_store %arg7[%swap3A_499, %swap3A_500, %swap3A_501], %swap3A_504 {strides = array<i32>} : memref<2x128x64xf32, #tpu.memory_space<vmem>>, vector<1x1x16xf32>,
      %get3A_505 = arith.constant 1 : i32
      %get3A_506 = arith.index_cast %get3A_505 : i32 to index
      %get3A_507 = arith.index_cast %scan3A_480 : i32 to index
      %get3A_508 = arith.constant 32 : index
      %get3A_509 = tpu.vector_load %arg6[%get3A_506, %get3A_507, %get3A_508] {strides = array<i32>} : memref<2x128x128xf32, #tpu.memory_space<vmem>>, vector<1x1x16xf32>,
      %get3A_510 = vector.shape_cast %get3A_509 : vector<1x1x16xf32> to vector<16xf32>
      %swap3A_511 = arith.constant 1 : i32
      %swap3A_512 = arith.index_cast %swap3A_511 : i32 to index
      %swap3A_513 = arith.index_cast %scan3A_480 : i32 to index
      %swap3A_514 = arith.constant 32 : index
      %swap3A_515 = tpu.vector_load %arg7[%swap3A_512, %swap3A_513, %swap3A_514] {strides = array<i32>} : memref<2x128x64xf32, #tpu.memory_space<vmem>>, vector<1x1x16xf32>,
      %swap3A_516 = vector.shape_cast %swap3A_515 : vector<1x1x16xf32> to vector<16xf32>
      %swap3A_517 = vector.shape_cast %get3A_510 : vector<16xf32> to vector<1x1x16xf32>
      tpu.vector_store %arg7[%swap3A_512, %swap3A_513, %swap3A_514], %swap3A_517 {strides = array<i32>} : memref<2x128x64xf32, #tpu.memory_space<vmem>>, vector<1x1x16xf32>,
      %get3A_518 = arith.constant 1 : i32
      %get3A_519 = arith.index_cast %get3A_518 : i32 to index
      %get3A_520 = arith.index_cast %scan3A_480 : i32 to index
      %get3A_521 = arith.constant 48 : index
      %get3A_522 = tpu.vector_load %arg6[%get3A_519, %get3A_520, %get3A_521] {strides = array<i32>} : memref<2x128x128xf32, #tpu.memory_space<vmem>>, vector<1x1x16xf32>,
      %get3A_523 = vector.shape_cast %get3A_522 : vector<1x1x16xf32> to vector<16xf32>
      %swap3A_524 = arith.constant 1 : i32
      %swap3A_525 = arith.index_cast %swap3A_524 : i32 to index
      %swap3A_526 = arith.index_cast %scan3A_480 : i32 to index
      %swap3A_527 = arith.constant 48 : index
      %swap3A_528 = tpu.vector_load %arg7[%swap3A_525, %swap3A_526, %swap3A_527] {strides = array<i32>} : memref<2x128x64xf32, #tpu.memory_space<vmem>>, vector<1x1x16xf32>,
      %swap3A_529 = vector.shape_cast %swap3A_528 : vector<1x1x16xf32> to vector<16xf32>
      %swap3A_530 = vector.shape_cast %get3A_523 : vector<16xf32> to vector<1x1x16xf32>
      tpu.vector_store %arg7[%swap3A_525, %swap3A_526, %swap3A_527], %swap3A_530 {strides = array<i32>} : memref<2x128x64xf32, #tpu.memory_space<vmem>>, vector<1x1x16xf32>,
    }
    %scan3A_436 = arith.constant 128 : i32
    %add3A_437 = arith.constant 7 : i32
    %add3A_438 = arith.addi %mul3A_2, %add3A_437 : i32
    %mul3A_439 = arith.constant 128 : i32
    %mul3A_440 = arith.muli %add3A_438, %mul3A_439 : i32
    %dma_start3A_441 = arith.constant 1 : i32
    %dma_start3A_442 = arith.constant 0 : i32
    %dma_start3A_443 = arith.constant 0 : i32
    %dma_start3A_444 = tpu.memref_slice %arg7[%dma_start3A_441, %dma_start3A_442, %dma_start3A_443] : memref<2x128x64xf32, #tpu.memory_space<vmem>> -> memref<1x128x64xf32, #tpu.memory_space<vmem>>
    %dma_start3A_445 = tpu.memref_squeeze %dma_start3A_444 : memref<1x128x64xf32, #tpu.memory_space<vmem>> -> memref<128x64xf32, #tpu.memory_space<vmem>>
    %dma_start3A_446 = arith.constant 0 : i32
    %dma_start3A_447 = tpu.memref_slice %arg4[%mul3A_440, %dma_start3A_446] : memref<32768x64xf32, #tpu.memory_space<hbm>> -> memref<128x64xf32, #tpu.memory_space<hbm>>
    %dma_start3A_448 = arith.constant 0 : i32
    %dma_start3A_449 = tpu.memref_slice %arg4[%mul3A_440, %dma_start3A_448] : memref<32768x64xf32, #tpu.memory_space<hbm>> -> memref<128x64xf32, #tpu.memory_space<hbm>>
    %dma_start3A_450 = arith.constant 0 : i32
    %dma_start3A_451 = arith.constant 0 : i32
    %dma_start3A_452 = tpu.memref_slice %arg7[%dma_start3A_441, %dma_start3A_450, %dma_start3A_451] : memref<2x128x64xf32, #tpu.memory_space<vmem>> -> memref<1x128x64xf32, #tpu.memory_space<vmem>>
    %dma_start3A_453 = tpu.memref_squeeze %dma_start3A_452 : memref<1x128x64xf32, #tpu.memory_space<vmem>> -> memref<128x64xf32, #tpu.memory_space<vmem>>
    tpu.enqueue_dma source(%dma_start3A_453 : memref<128x64xf32, #tpu.memory_space<vmem>>) target(%dma_start3A_449 : memref<128x64xf32, #tpu.memory_space<hbm>>) target_semaphore(%arg10 : memref<!tpu.dma_semaphore, #tpu.memory_space<semaphore_mem>>)
    %dma_wait3A_454 = arith.constant 0 : i32
    %dma_wait3A_455 = arith.constant 0 : i32
    %dma_wait3A_456 = arith.constant 0 : i32
    %dma_wait3A_457 = tpu.memref_slice %arg7[%dma_wait3A_454, %dma_wait3A_455, %dma_wait3A_456] : memref<2x128x64xf32, #tpu.memory_space<vmem>> -> memref<1x128x64xf32, #tpu.memory_space<vmem>>
    %dma_wait3A_458 = tpu.memref_squeeze %dma_wait3A_457 : memref<1x128x64xf32, #tpu.memory_space<vmem>> -> memref<128x64xf32, #tpu.memory_space<vmem>>
    %dma_wait3A_459 = arith.constant 0 : i32
    %dma_wait3A_460 = tpu.memref_slice %arg4[%mul3A_392, %dma_wait3A_459] : memref<32768x64xf32, #tpu.memory_space<hbm>> -> memref<128x64xf32, #tpu.memory_space<hbm>>
    %dma_wait3A_461 = arith.constant 0 : i32
    %dma_wait3A_462 = tpu.memref_slice %arg4[%mul3A_392, %dma_wait3A_461] : memref<32768x64xf32, #tpu.memory_space<hbm>> -> memref<128x64xf32, #tpu.memory_space<hbm>>
    %dma_wait3A_463 = arith.constant 0 : i32
    %dma_wait3A_464 = arith.constant 0 : i32
    %dma_wait3A_465 = tpu.memref_slice %arg7[%dma_wait3A_454, %dma_wait3A_463, %dma_wait3A_464] : memref<2x128x64xf32, #tpu.memory_space<vmem>> -> memref<1x128x64xf32, #tpu.memory_space<vmem>>
    %dma_wait3A_466 = tpu.memref_squeeze %dma_wait3A_465 : memref<1x128x64xf32, #tpu.memory_space<vmem>> -> memref<128x64xf32, #tpu.memory_space<vmem>>
    tpu.wait_dma2 semaphore(%arg9 : memref<!tpu.dma_semaphore, #tpu.memory_space<semaphore_mem>>) src(%dma_wait3A_466 : memref<128x64xf32, #tpu.memory_space<vmem>>) dst(%dma_wait3A_462 : memref<128x64xf32, #tpu.memory_space<hbm>>)
    %dma_wait3A_467 = arith.constant 1 : i32
    %dma_wait3A_468 = arith.constant 0 : i32
    %dma_wait3A_469 = arith.constant 0 : i32
    %dma_wait3A_470 = tpu.memref_slice %arg7[%dma_wait3A_467, %dma_wait3A_468, %dma_wait3A_469] : memref<2x128x64xf32, #tpu.memory_space<vmem>> -> memref<1x128x64xf32, #tpu.memory_space<vmem>>
    %dma_wait3A_471 = tpu.memref_squeeze %dma_wait3A_470 : memref<1x128x64xf32, #tpu.memory_space<vmem>> -> memref<128x64xf32, #tpu.memory_space<vmem>>
    %dma_wait3A_472 = arith.constant 0 : i32
    %dma_wait3A_473 = tpu.memref_slice %arg4[%mul3A_440, %dma_wait3A_472] : memref<32768x64xf32, #tpu.memory_space<hbm>> -> memref<128x64xf32, #tpu.memory_space<hbm>>
    %dma_wait3A_474 = arith.constant 0 : i32
    %dma_wait3A_475 = tpu.memref_slice %arg4[%mul3A_440, %dma_wait3A_474] : memref<32768x64xf32, #tpu.memory_space<hbm>> -> memref<128x64xf32, #tpu.memory_space<hbm>>
    %dma_wait3A_476 = arith.constant 0 : i32
    %dma_wait3A_477 = arith.constant 0 : i32
    %dma_wait3A_478 = tpu.memref_slice %arg7[%dma_wait3A_467, %dma_wait3A_476, %dma_wait3A_477] : memref<2x128x64xf32, #tpu.memory_space<vmem>> -> memref<1x128x64xf32, #tpu.memory_space<vmem>>
    %dma_wait3A_479 = tpu.memref_squeeze %dma_wait3A_478 : memref<1x128x64xf32, #tpu.memory_space<vmem>> -> memref<128x64xf32, #tpu.memory_space<vmem>>
    tpu.wait_dma2 semaphore(%arg10 : memref<!tpu.dma_semaphore, #tpu.memory_space<semaphore_mem>>) src(%dma_wait3A_479 : memref<128x64xf32, #tpu.memory_space<vmem>>) dst(%dma_wait3A_475 : memref<128x64xf32, #tpu.memory_space<hbm>>)
    return
  }
}

module attributes {stable_mosaic.version = 14 : i64} {
  func.func @_argmin_body(%arg0: i32, %arg1: memref<4096x64xf32, #tpu.memory_space<vmem>>, %arg2: memref<1024x64xf32, #tpu.memory_space<vmem>>, %arg3: memref<32x128xi32, #tpu.memory_space<vmem>>, %arg4: memref<1x1xf32, #tpu.memory_space<vmem>>, %arg5: memref<1024x128xf32, #tpu.memory_space<vmem>>) attributes {dimension_semantics = [#tpu.dimension_semantics<arbitrary>], iteration_bounds = array<i64: 8>, scalar_prefetch = 0 : i64, scratch_operands = 0 : i64, tpu.core_type = #tpu.core_type<tc>, window_params = [{transform_indices = @transform_0, window_bounds = array<i64: 4096, 64>}, {pipeline_mode = #tpu.pipeline_mode<synchronous>, transform_indices = @transform_1, window_bounds = array<i64: 1024, 64>}, {transform_indices = @transform_2, window_bounds = array<i64: 32, 128>}, {pipeline_mode = #tpu.pipeline_mode<synchronous>, transform_indices = @transform_3, window_bounds = array<i64: 1, 1>}, {pipeline_mode = #tpu.pipeline_mode<synchronous>, transform_indices = @transform_4, window_bounds = array<i64: 1024, 128>}]} {
    %get3A = arith.constant 0 : index
    %get3A_0 = arith.constant 0 : index
    %get3A_1 = vector.load %arg1[%get3A, %get3A_0] : memref<4096x64xf32, #tpu.memory_space<vmem>>, vector<4096x64xf32>
    %get3A_2 = arith.constant 0 : index
    %get3A_3 = arith.constant 0 : index
    %get3A_4 = vector.load %arg2[%get3A_2, %get3A_3] : memref<1024x64xf32, #tpu.memory_space<vmem>>, vector<1024x64xf32>
    %mul3A = arith.mulf %get3A_1, %get3A_1 : vector<4096x64xf32>
    %reduce_sum3A = arith.constant dense<0.000000e+00> : vector<4096xf32>
    %reduce_sum3A_5 = vector.multi_reduction <add>, %mul3A, %reduce_sum3A [1] : vector<4096x64xf32> to vector<4096xf32>
    %broadcast_in_dim3A = vector.shape_cast %reduce_sum3A_5 : vector<4096xf32> to vector<4096x1xf32>
    %mul3A_6 = arith.mulf %get3A_4, %get3A_4 : vector<1024x64xf32>
    %reduce_sum3A_7 = arith.constant dense<0.000000e+00> : vector<1024xf32>
    %reduce_sum3A_8 = vector.multi_reduction <add>, %mul3A_6, %reduce_sum3A_7 [1] : vector<1024x64xf32> to vector<1024xf32>
    %add3A = arith.addf %get3A_4, %get3A_4 : vector<1024x64xf32>
    %dot_general3A = arith.constant dense<0.000000e+00> : vector<4096x1024xf32>
    %dot_general3A_9 = tpu.matmul %get3A_1, %add3A, %dot_general3A {dimension_numbers = #tpu.dot_dimension_numbers<[1], [1], [0], [0], [0, 0, 1, 0], [], []>, transpose_lhs_hint = false} : vector<4096x64xf32>, vector<1024x64xf32>, vector<4096x1024xf32> -> vector<4096x1024xf32>
    %broadcast_in_dim3A_10 = vector.shape_cast %reduce_sum3A_8 : vector<1024xf32> to vector<1x1024xf32>
    %add3A_11 = vector.broadcast %broadcast_in_dim3A : vector<4096x1xf32> to vector<4096x1024xf32>
    %add3A_12 = vector.broadcast %broadcast_in_dim3A_10 : vector<1x1024xf32> to vector<4096x1024xf32>
    %add3A_13 = arith.addf %add3A_11, %add3A_12 : vector<4096x1024xf32>
    %sub3A = arith.subf %add3A_13, %dot_general3A_9 : vector<4096x1024xf32>
    %reduce_min3A = arith.constant dense<0x7F800000> : vector<4096xf32>
    %reduce_min3A_14 = vector.multi_reduction <minimumf>, %sub3A, %reduce_min3A [1] : vector<4096x1024xf32> to vector<4096xf32>
    %broadcast_in_dim3A_15 = vector.shape_cast %reduce_min3A_14 : vector<4096xf32> to vector<4096x1xf32>
    %iota3A = tpu.iota {dimensions = array<i32: 1>} : vector<4096x1024xi32>
    %convert_element_type3A = arith.sitofp %iota3A : vector<4096x1024xi32> to vector<4096x1024xf32>
    %eq3A = vector.broadcast %broadcast_in_dim3A_15 : vector<4096x1xf32> to vector<4096x1024xf32>
    %eq3A_16 = arith.cmpf oeq, %sub3A, %eq3A : vector<4096x1024xf32>
    %jit3A = arith.constant 0x4B800000 : f32
    %broadcast_in_dim3A_17 = vector.broadcast %jit3A : f32 to vector<4096x1024xf32>
    %select_n3A = arith.select %eq3A_16, %convert_element_type3A, %broadcast_in_dim3A_17 : vector<4096x1024xi1>, vector<4096x1024xf32>
    %reduce_min3A_18 = arith.constant dense<0x7F800000> : vector<4096xf32>
    %reduce_min3A_19 = vector.multi_reduction <minimumf>, %select_n3A, %reduce_min3A_18 [1] : vector<4096x1024xf32> to vector<4096xf32>
    %convert_element_type3A_20 = arith.fptosi %reduce_min3A_19 : vector<4096xf32> to vector<4096xi32>
    %reshape3A = vector.shape_cast %convert_element_type3A_20 : vector<4096xi32> to vector<32x128xi32>
    %swap3A = arith.constant 0 : index
    %swap3A_21 = arith.constant 0 : index
    %swap3A_22 = vector.load %arg3[%swap3A, %swap3A_21] : memref<32x128xi32, #tpu.memory_space<vmem>>, vector<32x128xi32>
    tpu.vector_store %arg3[%swap3A, %swap3A_21], %reshape3A {strides = array<i32>} : memref<32x128xi32, #tpu.memory_space<vmem>>, vector<32x128xi32>,
    %reduce_sum3A_23 = vector.shape_cast %broadcast_in_dim3A_15 : vector<4096x1xf32> to vector<1x4096x1xf32>
    %reduce_sum3A_24 = arith.constant dense<0.000000e+00> : vector<1xf32>
    %reduce_sum3A_25 = vector.multi_reduction <add>, %reduce_sum3A_23, %reduce_sum3A_24 [1, 2] : vector<1x4096x1xf32> to vector<1xf32>
    %reduce_sum3A_26 = vector.shape_cast %reduce_sum3A_25 : vector<1xf32> to vector<1x1x1xf32>
    %reduce_sum3A_27 = vector.extract %reduce_sum3A_26[0, 0, 0] : f32 from vector<1x1x1xf32>
    %reshape3A_28 = vector.broadcast %reduce_sum3A_27 : f32 to vector<1x1xf32>
    %eq3A_29 = arith.constant 0 : i32
    %eq3A_30 = arith.cmpi eq, %arg0, %eq3A_29 : i32
    %convert_element_type3A_31 = arith.extui %eq3A_30 : i1 to i32
    %cond3A = arith.constant 0 : i32
    %cond3A_32 = arith.cmpi ne, %convert_element_type3A_31, %cond3A : i32
    scf.if %cond3A_32 {
      %swap3A_37 = arith.constant 0 : index
      %swap3A_38 = arith.constant 0 : index
      %swap3A_39 = vector.load %arg4[%swap3A_37, %swap3A_38] : memref<1x1xf32, #tpu.memory_space<vmem>>, vector<1x1xf32>
      tpu.vector_store %arg4[%swap3A_37, %swap3A_38], %reshape3A_28 {strides = array<i32>} : memref<1x1xf32, #tpu.memory_space<vmem>>, vector<1x1xf32>,
      %broadcast_in_dim3A_40 = arith.constant 0.000000e+00 : f32
      %broadcast_in_dim3A_41 = vector.broadcast %broadcast_in_dim3A_40 : f32 to vector<1024x64xf32>
      %concatenate3A = tpu.concatenate %get3A_4, %broadcast_in_dim3A_41 in 1 : vector<1024x64xf32>, vector<1024x64xf32> -> vector<1024x128xf32>
      %swap3A_42 = arith.constant 0 : index
      %swap3A_43 = arith.constant 0 : index
      %swap3A_44 = vector.load %arg5[%swap3A_42, %swap3A_43] : memref<1024x128xf32, #tpu.memory_space<vmem>>, vector<1024x128xf32>
      tpu.vector_store %arg5[%swap3A_42, %swap3A_43], %concatenate3A {strides = array<i32>} : memref<1024x128xf32, #tpu.memory_space<vmem>>, vector<1024x128xf32>,
    } else {
    }
    %ne3A = arith.constant 0 : i32
    %ne3A_33 = arith.cmpi ne, %arg0, %ne3A : i32
    %convert_element_type3A_34 = arith.extui %ne3A_33 : i1 to i32
    %cond3A_35 = arith.constant 0 : i32
    %cond3A_36 = arith.cmpi ne, %convert_element_type3A_34, %cond3A_35 : i32
    scf.if %cond3A_36 {
      %get3A_37 = arith.constant 0 : index
      %get3A_38 = arith.constant 0 : index
      %get3A_39 = vector.load %arg4[%get3A_37, %get3A_38] : memref<1x1xf32, #tpu.memory_space<vmem>>, vector<1x1xf32>
      %add3A_40 = arith.addf %get3A_39, %reshape3A_28 : vector<1x1xf32>
      %swap3A_41 = arith.constant 0 : index
      %swap3A_42 = arith.constant 0 : index
      %swap3A_43 = vector.load %arg4[%swap3A_41, %swap3A_42] : memref<1x1xf32, #tpu.memory_space<vmem>>, vector<1x1xf32>
      tpu.vector_store %arg4[%swap3A_41, %swap3A_42], %add3A_40 {strides = array<i32>} : memref<1x1xf32, #tpu.memory_space<vmem>>, vector<1x1xf32>,
    } else {
    }
    return
  }
  func.func @transform_0(%arg0: i32) -> (i32, i32) {
    %c0_i32 = arith.constant 0 : i32
    %c0_i32_0 = arith.constant 0 : i32
    return %arg0, %c0_i32 : i32, i32
  }
  func.func @transform_1(%arg0: i32) -> (i32, i32) {
    %c0_i32 = arith.constant 0 : i32
    %c0_i32_0 = arith.constant 0 : i32
    %c0_i32_1 = arith.constant 0 : i32
    return %c0_i32, %c0_i32_0 : i32, i32
  }
  func.func @transform_2(%arg0: i32) -> (i32, i32) {
    %c0_i32 = arith.constant 0 : i32
    %c0_i32_0 = arith.constant 0 : i32
    return %arg0, %c0_i32 : i32, i32
  }
  func.func @transform_3(%arg0: i32) -> (i32, i32) {
    %c0_i32 = arith.constant 0 : i32
    %c0_i32_0 = arith.constant 0 : i32
    %c0_i32_1 = arith.constant 0 : i32
    return %c0_i32, %c0_i32_0 : i32, i32
  }
  func.func @transform_4(%arg0: i32) -> (i32, i32) {
    %c0_i32 = arith.constant 0 : i32
    %c0_i32_0 = arith.constant 0 : i32
    %c0_i32_1 = arith.constant 0 : i32
    return %c0_i32, %c0_i32_0 : i32, i32
  }
}

</mosaic_0001>

<sc_bundles>
// kernel: _vq.4.cloned.1.call-start
scs
__scs_entry_jumppad:
0x0: {  	(pc) =	sbr.rel $0x88, $3  }
0x1: {  	(tag) =	ssettag $0x0;
	lr =	simm.s32 $0x1  }
0x2: {  	[smem:$0x3F9F] =	sst lr;
	_ =	strace $0xD0000000  }
0x3: {  	_ = 	snop  }
0x4: {  	_ = 	snop  }
0x5: {  	_ = 	snop  }
0x6: {  	_ = 	snop  }
0x7: {  	_ = 	snop  }
__scs_overlays_trampoline_lowered:
0x8: {  	[smem:$0x3FAE] =	sst s0  }
0x9: {  	[smem:$0x3FAF] =	sst s1  }
0xa: {  	[smem:$0x3FB0] =	sst s2  }
0xb: {  	[smem:$0x3FB1] =	sst s3  }
0xc: {  	[smem:$0x3FB2] =	sst s4  }
0xd: {  	[smem:$0x3FB3] =	sst s5  }
0xe: {  	[smem:$0x3FB4] =	sst s6  }
0xf: {  	[smem:$0x3FB5] =	sst s7  }
0x10: {  	[smem:$0x3FB6] =	sst s8  }
0x11: {  	[smem:$0x3FB7] =	sst s9;
	s0 =	simm.s32 @!p0 $0x0  }
0x12: {  	s1 =	sld [smem:$0x3F9D];
	s0 =	simm.s32 @p0 $0x1  }
0x13: {  	[smem:$0x3FB8] =	sst s0;
	s0 =	simm.s32 @!p1 $0x0  }
0x14: {  	s2 =	sld [smem:$0x3F9C];
	s0 =	simm.s32 @p1 $0x1  }
0x15: {  	[smem:$0x3FB9] =	sst s0;
	s0 =	simm.s32 @!p2 $0x0  }
0x16: {  	s3 =	sld [smem:$0x3FDB];
	s0 =	simm.s32 @p2 $0x1  }
0x17: {  	s4 =	simm.s32 $0x1BF5;
	[smem:$0x3FBB] =	sst s0  }
0x18: {  	s0 =	sld [smem:$0x3F9E];
	_ =	swait.ge [sflag:s4], $0x0  }
0x19: {  	s7 =	sld [smem:$0x3F9F]  }
0x1a: {  	s8 =	sadd.s32 $0xFFFFE003, lr  }
0x1b: {  	s9 =	sadd.s32 $0xFFFFFEF7, lr;
	s5 =	simm.s32 $0xFFFFFFFF;
	p2 =	slt.u32 s8, $0xFFFFF086  }
0x1c: {  	p1 =	slt.u32 s9, $0xF7A;
	s5 =	simm.s32 @!p2 $0x0  }
0x1d: {  	s5 =	simm.s32 @p1 $0x1;
	p0 =	seq.s32 s7, s2  }
0x1e: {  	s7 =	smul.u32 @!p0 $0xF7A, s2;
	p2 =	seq.s32 @!p0 s5, $0x0  }
0x1f: {  	s9 =	smul.u32 $0xF7A, s1;
	s8 =	simm.s32 @!p0 $0x1BF5;
	p2 =	por !p2, p0  }
0x20: {  	[sflag:s8] =	ssyncset.s32 @!p0 $0xFFFFF086;
	s6 =	sadd.s32 @!p0 s3, s7;
	s7 =	simm.s32 @!p0 $0x108  }
0x21: {  	s3 =	sadd.s32 s3, s9;
	s6 =	sadd.s32 @!p0 $0x88, s6;
	s7 =	simm.s32 @p2 $0x1082  }
0x22: {  	[simem:s7], [sflag:s8] =	dma.local @!p0 [hbm:s6], $0xF7A  }
0x23: {  	s9 =	sor.u32 $0xD0000000, s2;
	s6 =	simm.s32 $0x108;
	_ =	swait.ge @!p0 [sflag:s8], $0x0  }
0x24: {  	s3 =	sadd.s32 $0x88, s3;
	s6 =	simm.s32 @!p1 $0x1082;
	[sflag:s4] =	ssyncset.s32 $0xFFFFF086  }
0x25: {  	[simem:s6], [sflag:s4] =	dma.local [hbm:s3], $0xF7A  }
0x26: {  	[smem:$0x3F9F] =	sst s1;
	(tag) =	ssettag s2;
	_ =	strace s9  }
0x27: {  	s1 =	sld [smem:$0x3FAF]  }
0x28: {  	s2 =	sld [smem:$0x3FB0]  }
0x29: {  	s4 =	sld [smem:$0x3FB2]  }
0x2a: {  	p0 =	seq.s32 s5, $0x0;
	s5 =	sld [smem:$0x3FB3]  }
0x2b: {  	s6 =	sld [smem:$0x3FB4]  }
0x2c: {  	s7 =	sld [smem:$0x3FB5]  }
0x2d: {  	s3 =	simm.s32 $0x108;
	s8 =	sld [smem:$0x3FB6]  }
0x2e: {  	s3 =	simm.s32 @!p0 $0x1082;
	s9 =	sld [smem:$0x3FB7]  }
0x2f: {  	lr =	sadd.s32 s0, s3;
	s0 =	sld [smem:$0x3FAE]  }
0x30: {  	s3 =	sld [smem:$0x3FB1]  }
0x31: {  	[smem:$0x3FBA] =	sst s10  }
0x32: {  	s10 =	sld [smem:$0x3FB8];
	_ =	sdelay $0x3  }
0x33: {  	p0 =	seq.s32 s10, $0x1;
	s10 =	sld [smem:$0x3FBA];
	_ =	sdelay $0x3  }
0x34: {  	[smem:$0x3FBA] =	sst s10  }
0x35: {  	s10 =	sld [smem:$0x3FB9];
	_ =	sdelay $0x3  }
0x36: {  	p1 =	seq.s32 s10, $0x1;
	s10 =	sld [smem:$0x3FBA];
	_ =	sdelay $0x3  }
0x37: {  	[smem:$0x3FBA] =	sst s10  }
0x38: {  	s10 =	sld [smem:$0x3FBB]  }
0x39: {  	_ = 	snop;
	(pc) =	sbr.ind lr, $3  }
0x3a: {  	_ = 	snop  }
0x3b: {  	_ = 	snop  }
0x3c: {  	p2 =	seq.s32 s10, $0x1;
	s10 =	sld [smem:$0x3FBA]  }
0x3d: {  	_ =	shalt  }
0x3e: {  	_ =	shalt  }
0x3f: {  	_ =	shalt  }
0x40: {  	_ =	shalt  }
0x41: {  	_ =	shalt  }
0x42: {  	_ =	shalt  }
0x43: {  	_ =	shalt  }
0x44: {  	_ =	shalt  }
0x45: {  	_ =	shalt  }
0x46: {  	_ =	shalt  }
0x47: {  	_ =	shalt  }
0x48: {  	_ =	shalt  }
0x49: {  	_ =	shalt  }
0x4a: {  	_ =	shalt  }
0x4b: {  	_ =	shalt  }
0x4c: {  	_ =	shalt  }
0x4d: {  	_ =	shalt  }
0x4e: {  	_ =	shalt  }
0x4f: {  	_ =	shalt  }
0x50: {  	_ =	shalt  }
0x51: {  	_ =	shalt  }
0x52: {  	_ =	shalt  }
0x53: {  	_ =	shalt  }
0x54: {  	_ =	shalt  }
0x55: {  	_ =	shalt  }
0x56: {  	_ =	shalt  }
0x57: {  	_ =	shalt  }
0x58: {  	_ =	shalt  }
0x59: {  	_ =	shalt  }
0x5a: {  	_ =	shalt  }
0x5b: {  	_ =	shalt  }
0x5c: {  	_ =	shalt  }
0x5d: {  	_ =	shalt  }
0x5e: {  	_ =	shalt  }
0x5f: {  	_ =	shalt  }
0x60: {  	_ =	shalt  }
0x61: {  	_ =	shalt  }
0x62: {  	_ =	shalt  }
0x63: {  	_ =	shalt  }
0x64: {  	_ =	shalt  }
0x65: {  	_ =	shalt  }
0x66: {  	_ =	shalt  }
0x67: {  	_ =	shalt  }
0x68: {  	_ =	shalt  }
0x69: {  	_ =	shalt  }
0x6a: {  	_ =	shalt  }
0x6b: {  	_ =	shalt  }
0x6c: {  	_ =	shalt  }
0x6d: {  	_ =	shalt  }
0x6e: {  	_ =	shalt  }
0x6f: {  	_ =	shalt  }
0x70: {  	_ =	shalt  }
0x71: {  	_ =	shalt  }
0x72: {  	_ =	shalt  }
0x73: {  	_ =	shalt  }
0x74: {  	_ =	shalt  }
0x75: {  	_ =	shalt  }
0x76: {  	_ =	shalt  }
0x77: {  	_ =	shalt  }
0x78: {  	_ =	shalt  }
0x79: {  	_ =	shalt  }
0x7a: {  	_ =	shalt  }
0x7b: {  	_ =	shalt  }
0x7c: {  	_ =	shalt  }
0x7d: {  	_ =	shalt  }
0x7e: {  	_ =	shalt  }
0x7f: {  	_ =	shalt  }
0x80: {  	_ =	shalt  }
0x81: {  	_ =	shalt  }
0x82: {  	_ =	shalt  }
0x83: {  	_ =	shalt  }
0x84: {  	_ =	shalt  }
0x85: {  	_ =	shalt  }
0x86: {  	_ =	shalt  }
0x87: {  	_ =	shalt  }
.Lfunc_end0:
.L_simem_size_0:
called_computation_lowered:
.L_overlay_start_0:
0x88: {  	s2 =	sld [smem:$0x3FD9]  }
0x89: {  	s3 =	sld [smem:$0x3FFE];
	_ =	sdelay $0x1  }
0x8a: {  	s1 =	srdreg.scid  }
0x8b: {  	s0 =	sand.u32 $0x1, s1  }
0x8c: {  	s14 =	sshll.u32 s0, $0xA;
	s2 =	sadd.s32 s3, s2  }
0x8d: {  	s2 =	sadd.s32 s2, s14  }
0x8e: {  	[smem:$0x3FC6] =	sst s2  }
0x8f: {  	_ = 	snop  }
0x90: {  	s2 =	sld [smem:$0x3FD0];
	_ =	sdelay $0x2  }
0x91: {  	s15 =	simm.s32 $0xA;
	s4 =	simm.s32 $0x10  }
0x92: {  	[smem:s4], [sflag:s15] =	dma.local [hbm:s2], $0x1  }
0x93: {  	_ =	swait.eq [sflag:s15], $0x1  }
0x94: {  	[sflag:s15] =	ssyncset.done $0x0  }
0x95: {  	[sflag:s15] =	ssyncadd.s32 $0xFFFFFFFF  }
0x96: {  	s16 =	sld [smem:$0x10];
	(tm) =	ssettm $0x1  }
0x97: {  	s17 =	sld [smem:$0x3FFB];
	_ =	sdelay $0x3  }
0x98: {  	_ =	strace s17  }
0x99: {  	s3 =	sld [smem:$0x3FFC];
	_ =	sdelay $0x3  }
0x9a: {  	_ =	strace s3  }
0x9b: {  	s3 =	sld [smem:$0x3FFD];
	_ =	sdelay $0x3  }
0x9c: {  	_ =	strace s3  }
0x9d: {  	_ =	strace $0x8FFFFFFF  }
0x9e: {  	s18 =	sld [smem:$0x3FDB];
	_ =	sdelay $0x1  }
0x9f: {  	s19 =	simm.s32 $_scs_section_size  }
0xa0: {  	s5 =	simm.s32 $_size__tile_overlayer_lowered;
	s6 =	simm.s32 $_tile_overlayer_lowered  }
0xa1: {  	s22 =	simm.s32 $0x1BFF;
	s21 =	sshll.u32 s6, $0x1;
	s3 =	sadd.s32 s19, s18  }
0xa2: {  	s7 =	simm.s32 $0x0;
	s20 =	sshll.u32 s5, $0x1;
	s5 =	sadd.s32 s21, s3  }
0xa3: {  	[timem:s7], [sflag:s22] =	dma.local [hbm:s5], s20  }
0xa4: {  	_ =	swait.ge [sflag:s22], s20  }
0xa5: {  	s4 =	ssub.s32 $0x0, s20;
	[sflag:s22] =	ssyncset.done $0x0  }
0xa6: {  	[sflag:s22] =	ssyncadd.s32 s4;
	_ =	sdelay $0x1  }
0xa7: {  	s23 =	simm.s32 $0x1B8B  }
0xa8: {  	_ =	swait.ge [sflag:s23], $0x1  }
0xa9: {  	[sflag:s23] =	ssyncset.done $0x0  }
0xaa: {  	s25 =	simm.s32 $0x1B8E;
	s24 =	sld [smem:$0x3FFE];
	[sflag:s23] =	ssyncadd.s32 $0xFFFFFFFF  }
0xab: {  	s26 =	simm.s32 $execute0_lowered;
	[smem:$0x3FD2] =	sst s25  }
0xac: {  	s5 =	sshll.u32 s26, $0x1;
	_ =	strace $0x80000046;
	[dreg:$0x1] =	wrdreg $0xFFFFFFFF  }
0xad: {  	s28 =	simm.s32 $_size_execute0_lowered;
	s3 =	sadd.s32 s3, s5;
	[dreg:$0x0] =	wrdreg $0x0  }
0xae: {  	s5 =	sshll.u32 s28, $0x1;
	[dreg:$0x2] =	wrdreg s3  }
0xaf: {  	[dreg:$0x3] =	wrdreg s5  }
0xb0: {  	[dreg:$0x4] =	wrdreg $0xC0  }
0xb1: {  	_ =	task [dreg:s7], $0x5FFFF  }
0xb2: {  	[dreg:$0x1] =	wrdreg $0xFFFFFFFF  }
0xb3: {  	[dreg:$0x0] =	wrdreg $0x60  }
0xb4: {  	[dreg:$0x2] =	wrdreg s16  }
0xb5: {  	[dreg:$0x3] =	wrdreg s24  }
0xb6: {  	[dreg:$0x4] =	wrdreg $0x9  }
0xb7: {  	_ =	task.clear_ibuf [dreg:s7], $0x5FFFF;
	_ =	strace $0x90000046  }
0xb8: {  	s29 =	simm.s32 $0x9;
	_ =	strace $0x80000048  }
0xb9: {  	_ =	swait.ge [sflag:s29], $0x1  }
0xba: {  	[sflag:s29] =	ssyncadd.s32 $0xFFFFFFFF  }
0xbb: {  	_ =	strace $0x90000048  }
0xbc: {  	_ =	sfence  }
0xbd: {  	s30 =	sld [smem:$0x0];
	_ =	sdelay $0x2  }
0xbe: {  	s31 =	sshll.u32 s1, $0xD;
	s1 =	sshrl.u32 s1, $0x2  }
0xbf: {  	s3 =	sand.u32 $0x4000, s31;
	s1 =	sadd.s32 s1, s30  }
0xc0: {  	s0 =	sor.u32 s3, s0;
	s1 =	sshll.u32 s1, $0x11  }
0xc1: {  	s0 =	sor.u32 s1, s0  }
0xc2: {  	s0 =	sadd.s32 $0x8F2B, s0  }
0xc3: {  	[sflag:s0] =	ssyncadd.remote.s32 $0x1  }
0xc4: {  	_ =	sfence.sel $0xFFFF  }
0xc5: {  	[dreg:$0x0] =	wrdreg $0xFFFFFFFF;
	(pc) =	sbr.abs _section_cstart, $3  }
0xc6: {  	[dreg:$0x1] =	wrdreg $0xFFFFFFFF  }
0xc7: {  	_ =	task.clear_ibuf [dreg:s7], $0x2FFFF;
	_ =	strace $0x9FFFFFFF  }
0xc8: {  	(tm) =	ssettm $0x7FFFFFFF  }
0xc9: {  	_ =	shalt  }
tec
execute0_lowered:
.L_overlay_start_1:
0x0: {  	(tag) =	ssettag $0x1  }
0x1: {  	s1 =	rddreg [dreg:$0x0]  }
0x2: {  	s0 =	rddreg [dreg:$0x1];
	s3 =	simm.s32 $0x0;
	s4 =	srdreg.scid  }
0x3: {  	s2 =	stileid.u32;
	s14 =	simm.s32 $0x4;
	s15 =	simm.s32 $0x80  }
0x4: {  	s16 =	simm.s32 $0x400;
	s17 =	simm.s32 $0x4400;
	s18 =	simm.s32 $0x1  }
0x5: {  	s19 =	simm.s32 $0x100;
	s20 =	simm.s32 $0x8400;
	s21 =	simm.s32 $0x180  }
0x6: {  	s22 =	simm.s32 $0xC400;
	s23 =	simm.s32 $0x2;
	s24 =	simm.s32 $0x200  }
0x7: {  	s25 =	simm.s32 $0x3;
	s26 =	simm.s32 $0x280;
	s28 =	simm.s32 $0x300  }
0x8: {  	s29 =	simm.s32 $0x380;
	s4 =	sand.u32 $0x1, s4;
	s5 =	sshll.u32 s2, $0x1  }
0x9: {  	s30 =	simm.s32 $0x0;
	[smem:$0x7FF] =	sst s3;
	s5 =	sor.u32 s4, s5  }
0xa: {  	_ =	strace $0x80000047;
	s4 =	ssub.s32 $0x2, s4;
	s6 =	sshll.u32 s5, $0x7  }
0xb: {  	s5 =	sshll.u32 s5, $0xE;
	s31 =	sshrl.u32 s4, $0x1;
	s6 =	sadd.s32 s6, s0  }
0xc: {  	s0 =	sadd.s32 s5, s0;
	s13 =	ssub.s32 s4, s31;
	s4 =	sadd.s32 $0xA00, s6  }
0xd: {  	s5 =	sadd.s32 $0x1A00, s0;
	s6 =	sadd.s32 $0x2200, s0;
	s7 =	sadd.s32 $0x2A00, s0  }
0xe: {  	s8 =	sadd.s32 $0x3200, s0;
	s9 =	sadd.s32 $0x3A00, s0;
	s10 =	sadd.s32 $0x4200, s0  }
0xf: {  	s11 =	sadd.s32 $0x4A00, s0;
	s12 =	sadd.s32 $0x5200, s0;
	s13 =	smax.u32 s13, $0x1  }
.LBB2_1:
0x10: {  	[tilespmem:s3], [sflag:$0x4] =	stream.linear.gather [hbm4b:s4+s3], $0x400, $0x38;
	[tilespmem:$0x10400] =	vst v63  }
0x11: {  	_ =	swait.ge [sflag:s14], $0x400  }
0x12: {  	[sflag:s14] =	ssyncset.done $0x0  }
0x13: {  	[sflag:s14] =	ssyncadd.s32 $0xFFFFFC00  }
0x14: {  	[tilespmem:s16], [sflag:$0x1] =	stream.indirect.gather [hbm4b:s1+s15], $0x80, s3, s15, $0xb8;
	[tilespmem:$0x10400] =	vst v63  }
0x15: {  	_ = 	snop  }
0x16: {  	[tilespmem:s17], [sflag:$0x1] =	stream.indirect.gather [hbm4b:s1+s15], $0x80, s15, s15, $0xb8;
	[tilespmem:$0x10400] =	vst v63  }
0x17: {  	_ =	swait.ge [sflag:s18], $0x4000  }
0x18: {  	[sflag:s18] =	ssyncset.done $0x0  }
0x19: {  	s31 =	simm.s32 $0x0;
	[sflag:s18] =	ssyncadd.s32 $0xFFFFC000  }
0x1a: {  	v0 =	vld [tilespmem:s31+$0x430]  }
0x1b: {  	v1 =	vld [tilespmem:s31+$0x400]  }
0x1c: {  	v2 =	vld [tilespmem:s31+$0x410]  }
0x1d: {  	s0 =	simm.s32 $0x200;
	v3 =	vld [tilespmem:s31+$0x420]  }
.LBB2_2:
0x1e: {  	p0 =	sne.s32 s0, $0xFE00  }
.Ltmp0:
0x1f: {  	s2 =	sshra.s32 s0, $0x2;
	s0 =	sadd.s32 $0x200, s0;
	[tilespmem:s31+$0x8430] =	vst v0;
	(pc) =	sbr.rel @p0 .LBB2_2-.Ltmp0, $4  }
0x20: {  	v0 =	vld [tilespmem:s2+$0x430];
	[tilespmem:s31+$0x8400] =	vst v1  }
0x21: {  	v1 =	vld [tilespmem:s2+$0x400];
	[tilespmem:s31+$0x8410] =	vst v2  }
0x22: {  	v2 =	vld [tilespmem:s2+$0x410];
	[tilespmem:s31+$0x8420] =	vst v3;
	s31 =	smov.u32 s2  }
0x23: {  	v3 =	vld [tilespmem:s31+$0x420]  }
0x24: {  	_ = 	snop  }
0x25: {  	[tilespmem:s31+$0x8430] =	vst v0  }
0x26: {  	[tilespmem:s31+$0x8400] =	vst v1  }
0x27: {  	[tilespmem:s31+$0x8410] =	vst v2  }
0x28: {  	[tilespmem:s31+$0x8420] =	vst v3  }
0x29: {  	[tilespmem:s16], [sflag:$0x1] =	stream.indirect.gather [hbm4b:s1+s15], $0x80, s19, s15, $0xb8;
	[tilespmem:$0x10400] =	vst v63  }
0x2a: {  	s0 =	simm.s32 $0x0  }
0x2b: {  	[hbm4b:s5+s0] =	stream.linear.scatter [tilespmem:s20], [sflag:$0x2], $0x4000, $0x38;
	[tilespmem:$0x10400] =	vst v63  }
0x2c: {  	_ =	swait.ge [sflag:s18], $0x4000  }
0x2d: {  	[sflag:s18] =	ssyncset.done $0x0  }
0x2e: {  	s31 =	simm.s32 $0x0;
	[sflag:s18] =	ssyncadd.s32 $0xFFFFC000  }
0x2f: {  	v0 =	vld [tilespmem:s31+$0x4430]  }
0x30: {  	v1 =	vld [tilespmem:s31+$0x4400]  }
0x31: {  	v2 =	vld [tilespmem:s31+$0x4410]  }
0x32: {  	s0 =	simm.s32 $0x200;
	v3 =	vld [tilespmem:s31+$0x4420]  }
.LBB2_4:
0x33: {  	p0 =	sne.s32 s0, $0xFE00  }
.Ltmp1:
0x34: {  	s2 =	sshra.s32 s0, $0x2;
	s0 =	sadd.s32 $0x200, s0;
	[tilespmem:s31+$0xC430] =	vst v0;
	(pc) =	sbr.rel @p0 .LBB2_4-.Ltmp1, $4  }
0x35: {  	v0 =	vld [tilespmem:s2+$0x4430];
	[tilespmem:s31+$0xC400] =	vst v1  }
0x36: {  	v1 =	vld [tilespmem:s2+$0x4400];
	[tilespmem:s31+$0xC410] =	vst v2  }
0x37: {  	v2 =	vld [tilespmem:s2+$0x4410];
	[tilespmem:s31+$0xC420] =	vst v3;
	s31 =	smov.u32 s2  }
0x38: {  	v3 =	vld [tilespmem:s31+$0x4420]  }
0x39: {  	_ = 	snop  }
0x3a: {  	[tilespmem:s31+$0xC430] =	vst v0  }
0x3b: {  	[tilespmem:s31+$0xC400] =	vst v1  }
0x3c: {  	[tilespmem:s31+$0xC410] =	vst v2  }
0x3d: {  	[tilespmem:s31+$0xC420] =	vst v3  }
0x3e: {  	[tilespmem:s17], [sflag:$0x1] =	stream.indirect.gather [hbm4b:s1+s15], $0x80, s21, s15, $0xb8;
	[tilespmem:$0x10400] =	vst v63  }
0x3f: {  	s0 =	simm.s32 $0x0  }
0x40: {  	[hbm4b:s6+s0] =	stream.linear.scatter [tilespmem:s22], [sflag:$0x3], $0x4000, $0x38;
	[tilespmem:$0x10400] =	vst v63  }
0x41: {  	_ =	swait.ge [sflag:s18], $0x4000  }
0x42: {  	[sflag:s18] =	ssyncset.done $0x0  }
0x43: {  	[sflag:s18] =	ssyncadd.s32 $0xFFFFC000  }
0x44: {  	_ =	swait.ge [sflag:s23], $0x4000  }
0x45: {  	[sflag:s23] =	ssyncset.done $0x0  }
0x46: {  	s31 =	simm.s32 $0x0;
	[sflag:s23] =	ssyncadd.s32 $0xFFFFC000  }
0x47: {  	v0 =	vld [tilespmem:s31+$0x430]  }
0x48: {  	v1 =	vld [tilespmem:s31+$0x400]  }
0x49: {  	v2 =	vld [tilespmem:s31+$0x410]  }
0x4a: {  	s0 =	simm.s32 $0x200;
	v3 =	vld [tilespmem:s31+$0x420]  }
.LBB2_6:
0x4b: {  	p0 =	sne.s32 s0, $0xFE00  }
.Ltmp2:
0x4c: {  	s2 =	sshra.s32 s0, $0x2;
	s0 =	sadd.s32 $0x200, s0;
	[tilespmem:s31+$0x8430] =	vst v0;
	(pc) =	sbr.rel @p0 .LBB2_6-.Ltmp2, $4  }
0x4d: {  	v0 =	vld [tilespmem:s2+$0x430];
	[tilespmem:s31+$0x8400] =	vst v1  }
0x4e: {  	v1 =	vld [tilespmem:s2+$0x400];
	[tilespmem:s31+$0x8410] =	vst v2  }
0x4f: {  	v2 =	vld [tilespmem:s2+$0x410];
	[tilespmem:s31+$0x8420] =	vst v3;
	s31 =	smov.u32 s2  }
0x50: {  	v3 =	vld [tilespmem:s31+$0x420]  }
0x51: {  	_ = 	snop  }
0x52: {  	[tilespmem:s31+$0x8430] =	vst v0  }
0x53: {  	[tilespmem:s31+$0x8400] =	vst v1  }
0x54: {  	[tilespmem:s31+$0x8410] =	vst v2  }
0x55: {  	[tilespmem:s31+$0x8420] =	vst v3  }
0x56: {  	[tilespmem:s16], [sflag:$0x1] =	stream.indirect.gather [hbm4b:s1+s15], $0x80, s24, s15, $0xb8;
	[tilespmem:$0x10400] =	vst v63  }
0x57: {  	s0 =	simm.s32 $0x0  }
0x58: {  	[hbm4b:s7+s0] =	stream.linear.scatter [tilespmem:s20], [sflag:$0x2], $0x4000, $0x38;
	[tilespmem:$0x10400] =	vst v63  }
0x59: {  	_ =	swait.ge [sflag:s18], $0x4000  }
0x5a: {  	[sflag:s18] =	ssyncset.done $0x0  }
0x5b: {  	[sflag:s18] =	ssyncadd.s32 $0xFFFFC000  }
0x5c: {  	_ =	swait.ge [sflag:s25], $0x4000  }
0x5d: {  	[sflag:s25] =	ssyncset.done $0x0  }
0x5e: {  	s31 =	simm.s32 $0x0;
	[sflag:s25] =	ssyncadd.s32 $0xFFFFC000  }
0x5f: {  	v0 =	vld [tilespmem:s31+$0x4430]  }
0x60: {  	v1 =	vld [tilespmem:s31+$0x4400]  }
0x61: {  	v2 =	vld [tilespmem:s31+$0x4410]  }
0x62: {  	s0 =	simm.s32 $0x200;
	v3 =	vld [tilespmem:s31+$0x4420]  }
.LBB2_8:
0x63: {  	p0 =	sne.s32 s0, $0xFE00  }
.Ltmp3:
0x64: {  	s2 =	sshra.s32 s0, $0x2;
	s0 =	sadd.s32 $0x200, s0;
	[tilespmem:s31+$0xC430] =	vst v0;
	(pc) =	sbr.rel @p0 .LBB2_8-.Ltmp3, $4  }
0x65: {  	v0 =	vld [tilespmem:s2+$0x4430];
	[tilespmem:s31+$0xC400] =	vst v1  }
0x66: {  	v1 =	vld [tilespmem:s2+$0x4400];
	[tilespmem:s31+$0xC410] =	vst v2  }
0x67: {  	v2 =	vld [tilespmem:s2+$0x4410];
	[tilespmem:s31+$0xC420] =	vst v3;
	s31 =	smov.u32 s2  }
0x68: {  	v3 =	vld [tilespmem:s31+$0x4420]  }
0x69: {  	_ = 	snop  }
0x6a: {  	[tilespmem:s31+$0xC430] =	vst v0  }
0x6b: {  	[tilespmem:s31+$0xC400] =	vst v1  }
0x6c: {  	[tilespmem:s31+$0xC410] =	vst v2  }
0x6d: {  	[tilespmem:s31+$0xC420] =	vst v3  }
0x6e: {  	[tilespmem:s17], [sflag:$0x1] =	stream.indirect.gather [hbm4b:s1+s15], $0x80, s26, s15, $0xb8;
	[tilespmem:$0x10400] =	vst v63  }
0x6f: {  	s0 =	simm.s32 $0x0  }
0x70: {  	[hbm4b:s8+s0] =	stream.linear.scatter [tilespmem:s22], [sflag:$0x3], $0x4000, $0x38;
	[tilespmem:$0x10400] =	vst v63  }
0x71: {  	_ =	swait.ge [sflag:s18], $0x4000  }
0x72: {  	[sflag:s18] =	ssyncset.done $0x0  }
0x73: {  	[sflag:s18] =	ssyncadd.s32 $0xFFFFC000  }
0x74: {  	_ =	swait.ge [sflag:s23], $0x4000  }
0x75: {  	[sflag:s23] =	ssyncset.done $0x0  }
0x76: {  	s31 =	simm.s32 $0x0;
	[sflag:s23] =	ssyncadd.s32 $0xFFFFC000  }
0x77: {  	v0 =	vld [tilespmem:s31+$0x430]  }
0x78: {  	v1 =	vld [tilespmem:s31+$0x400]  }
0x79: {  	v2 =	vld [tilespmem:s31+$0x410]  }
0x7a: {  	s0 =	simm.s32 $0x200;
	v3 =	vld [tilespmem:s31+$0x420]  }
.LBB2_10:
0x7b: {  	p0 =	sne.s32 s0, $0xFE00  }
.Ltmp4:
0x7c: {  	s2 =	sshra.s32 s0, $0x2;
	s0 =	sadd.s32 $0x200, s0;
	[tilespmem:s31+$0x8430] =	vst v0;
	(pc) =	sbr.rel @p0 .LBB2_10-.Ltmp4, $4  }
0x7d: {  	v0 =	vld [tilespmem:s2+$0x430];
	[tilespmem:s31+$0x8400] =	vst v1  }
0x7e: {  	v1 =	vld [tilespmem:s2+$0x400];
	[tilespmem:s31+$0x8410] =	vst v2  }
0x7f: {  	v2 =	vld [tilespmem:s2+$0x410];
	[tilespmem:s31+$0x8420] =	vst v3;
	s31 =	smov.u32 s2  }
0x80: {  	v3 =	vld [tilespmem:s31+$0x420]  }
0x81: {  	_ = 	snop  }
0x82: {  	[tilespmem:s31+$0x8430] =	vst v0  }
0x83: {  	[tilespmem:s31+$0x8400] =	vst v1  }
0x84: {  	[tilespmem:s31+$0x8410] =	vst v2  }
0x85: {  	[tilespmem:s31+$0x8420] =	vst v3  }
0x86: {  	[tilespmem:s16], [sflag:$0x1] =	stream.indirect.gather [hbm4b:s1+s15], $0x80, s28, s15, $0xb8;
	[tilespmem:$0x10400] =	vst v63  }
0x87: {  	s0 =	simm.s32 $0x0  }
0x88: {  	[hbm4b:s9+s0] =	stream.linear.scatter [tilespmem:s20], [sflag:$0x2], $0x4000, $0x38;
	[tilespmem:$0x10400] =	vst v63  }
0x89: {  	_ =	swait.ge [sflag:s18], $0x4000  }
0x8a: {  	[sflag:s18] =	ssyncset.done $0x0  }
0x8b: {  	[sflag:s18] =	ssyncadd.s32 $0xFFFFC000  }
0x8c: {  	_ =	swait.ge [sflag:s25], $0x4000  }
0x8d: {  	[sflag:s25] =	ssyncset.done $0x0  }
0x8e: {  	s31 =	simm.s32 $0x0;
	[sflag:s25] =	ssyncadd.s32 $0xFFFFC000  }
0x8f: {  	v0 =	vld [tilespmem:s31+$0x4430]  }
0x90: {  	v1 =	vld [tilespmem:s31+$0x4400]  }
0x91: {  	v2 =	vld [tilespmem:s31+$0x4410]  }
0x92: {  	s0 =	simm.s32 $0x200;
	v3 =	vld [tilespmem:s31+$0x4420]  }
.LBB2_12:
0x93: {  	p0 =	sne.s32 s0, $0xFE00  }
.Ltmp5:
0x94: {  	s2 =	sshra.s32 s0, $0x2;
	s0 =	sadd.s32 $0x200, s0;
	[tilespmem:s31+$0xC430] =	vst v0;
	(pc) =	sbr.rel @p0 .LBB2_12-.Ltmp5, $4  }
0x95: {  	v0 =	vld [tilespmem:s2+$0x4430];
	[tilespmem:s31+$0xC400] =	vst v1  }
0x96: {  	v1 =	vld [tilespmem:s2+$0x4400];
	[tilespmem:s31+$0xC410] =	vst v2  }
0x97: {  	v2 =	vld [tilespmem:s2+$0x4410];
	[tilespmem:s31+$0xC420] =	vst v3;
	s31 =	smov.u32 s2  }
0x98: {  	v3 =	vld [tilespmem:s31+$0x4420]  }
0x99: {  	_ = 	snop  }
0x9a: {  	[tilespmem:s31+$0xC430] =	vst v0  }
0x9b: {  	[tilespmem:s31+$0xC400] =	vst v1  }
0x9c: {  	[tilespmem:s31+$0xC410] =	vst v2  }
0x9d: {  	[tilespmem:s31+$0xC420] =	vst v3  }
0x9e: {  	[tilespmem:s17], [sflag:$0x1] =	stream.indirect.gather [hbm4b:s1+s15], $0x80, s29, s15, $0xb8;
	[tilespmem:$0x10400] =	vst v63  }
0x9f: {  	s0 =	simm.s32 $0x0  }
0xa0: {  	[hbm4b:s10+s0] =	stream.linear.scatter [tilespmem:s22], [sflag:$0x3], $0x4000, $0x38;
	[tilespmem:$0x10400] =	vst v63  }
0xa1: {  	_ =	swait.ge [sflag:s18], $0x4000  }
0xa2: {  	[sflag:s18] =	ssyncset.done $0x0  }
0xa3: {  	[sflag:s18] =	ssyncadd.s32 $0xFFFFC000  }
0xa4: {  	_ =	swait.ge [sflag:s23], $0x4000  }
0xa5: {  	[sflag:s23] =	ssyncset.done $0x0  }
0xa6: {  	s31 =	simm.s32 $0x0;
	[sflag:s23] =	ssyncadd.s32 $0xFFFFC000  }
0xa7: {  	v0 =	vld [tilespmem:s31+$0x430]  }
0xa8: {  	v1 =	vld [tilespmem:s31+$0x400]  }
0xa9: {  	v2 =	vld [tilespmem:s31+$0x410]  }
0xaa: {  	s0 =	simm.s32 $0x200;
	v3 =	vld [tilespmem:s31+$0x420]  }
.LBB2_14:
0xab: {  	p0 =	sne.s32 s0, $0xFE00  }
.Ltmp6:
0xac: {  	s2 =	sshra.s32 s0, $0x2;
	s0 =	sadd.s32 $0x200, s0;
	[tilespmem:s31+$0x8430] =	vst v0;
	(pc) =	sbr.rel @p0 .LBB2_14-.Ltmp6, $4  }
0xad: {  	v0 =	vld [tilespmem:s2+$0x430];
	[tilespmem:s31+$0x8400] =	vst v1  }
0xae: {  	v1 =	vld [tilespmem:s2+$0x400];
	[tilespmem:s31+$0x8410] =	vst v2  }
0xaf: {  	v2 =	vld [tilespmem:s2+$0x410];
	[tilespmem:s31+$0x8420] =	vst v3;
	s31 =	smov.u32 s2  }
0xb0: {  	v3 =	vld [tilespmem:s31+$0x420]  }
0xb1: {  	_ = 	snop  }
0xb2: {  	[tilespmem:s31+$0x8430] =	vst v0  }
0xb3: {  	[tilespmem:s31+$0x8400] =	vst v1  }
0xb4: {  	[tilespmem:s31+$0x8410] =	vst v2  }
0xb5: {  	s0 =	simm.s32 $0x0;
	[tilespmem:s31+$0x8420] =	vst v3  }
0xb6: {  	[hbm4b:s11+s0] =	stream.linear.scatter [tilespmem:s20], [sflag:$0x2], $0x4000, $0x38;
	[tilespmem:$0x10400] =	vst v63  }
0xb7: {  	_ =	swait.ge [sflag:s18], $0x4000  }
0xb8: {  	[sflag:s18] =	ssyncset.done $0x0  }
0xb9: {  	[sflag:s18] =	ssyncadd.s32 $0xFFFFC000  }
0xba: {  	_ =	swait.ge [sflag:s25], $0x4000  }
0xbb: {  	[sflag:s25] =	ssyncset.done $0x0  }
0xbc: {  	s31 =	simm.s32 $0x0;
	[sflag:s25] =	ssyncadd.s32 $0xFFFFC000  }
0xbd: {  	v0 =	vld [tilespmem:s31+$0x4430]  }
0xbe: {  	v1 =	vld [tilespmem:s31+$0x4400]  }
0xbf: {  	v2 =	vld [tilespmem:s31+$0x4410]  }
0xc0: {  	s0 =	simm.s32 $0x200;
	v3 =	vld [tilespmem:s31+$0x4420]  }
.LBB2_16:
0xc1: {  	p0 =	sne.s32 s0, $0xFE00  }
.Ltmp7:
0xc2: {  	s2 =	sshra.s32 s0, $0x2;
	s0 =	sadd.s32 $0x200, s0;
	[tilespmem:s31+$0xC430] =	vst v0;
	(pc) =	sbr.rel @p0 .LBB2_16-.Ltmp7, $4  }
0xc3: {  	v0 =	vld [tilespmem:s2+$0x4430];
	[tilespmem:s31+$0xC400] =	vst v1  }
0xc4: {  	v1 =	vld [tilespmem:s2+$0x4400];
	[tilespmem:s31+$0xC410] =	vst v2  }
0xc5: {  	v2 =	vld [tilespmem:s2+$0x4410];
	[tilespmem:s31+$0xC420] =	vst v3;
	s31 =	smov.u32 s2  }
0xc6: {  	v3 =	vld [tilespmem:s31+$0x4420]  }
0xc7: {  	_ = 	snop  }
0xc8: {  	[tilespmem:s31+$0xC430] =	vst v0  }
0xc9: {  	[tilespmem:s31+$0xC400] =	vst v1  }
0xca: {  	[tilespmem:s31+$0xC410] =	vst v2  }
0xcb: {  	s30 =	sadd.s32 $0x1, s30;
	[tilespmem:s31+$0xC420] =	vst v3  }
0xcc: {  	[hbm4b:s12+s3] =	stream.linear.scatter [tilespmem:s22], [sflag:$0x3], $0x4000, $0x38;
	[tilespmem:$0x10400] =	vst v63  }
0xcd: {  	p0 =	sne.s32 s30, s13;
	_ =	swait.ge [sflag:s23], $0x4000  }
.Ltmp8:
0xce: {  	[sflag:s23] =	ssyncset.done $0x0;
	(pc) =	sbr.rel @p0 .LBB2_1-.Ltmp8, $4  }
0xcf: {  	[sflag:s23] =	ssyncadd.s32 $0xFFFFC000  }
0xd0: {  	_ =	swait.ge [sflag:s25], $0x4000  }
0xd1: {  	[sflag:s25] =	ssyncset.done $0x0  }
0xd2: {  	[sflag:s25] =	ssyncadd.s32 $0xFFFFC000  }
0xd3: {  	_ =	sfence.sel $0x180000  }
0xd4: {  	[bflag:$0x0] =	sbarrier.arrive $0xFFFF  }
0xd5: {  	_ =	strace $0x90000047  }
0xd6: {  	s0 =	stileid.u32;
	[bflag:$0x2] =	sbarrier.arrive $0xFFFF  }
0xd7: {  	p0 =	sne.s32 s0, $0x0;
	s0 =	rddreg [dreg:$0x2]  }
0xd8: {  	s0 =	sadd.s32 @!p0 $0x100000, s0  }
0xd9: {  	[sflag:s0] =	ssyncadd.tile.s32 @!p0 $0x1;
	_ =	shalt  }
.Lfunc_end2:
_tile_overlayer_lowered:
.L_overlay_start_2:
0xda: {  	(tag) =	ssettag $0x2  }
0xdb: {  	s0 =	rddreg [dreg:$0x0];
	s2 =	stileid.u32  }
0xdc: {  	s1 =	rddreg [dreg:$0x1];
	p0 =	sne.s32 s2, $0x0  }
0xdd: {  	s3 =	rddreg [dreg:$0x2];
	[bflag:$0x3] =	sbarrier.arrive $0xFFFF;
	s2 =	simm.s32 @!p0 $0x1C04  }
0xde: {  	[timem:s3], [sflag:s2] =	dma.local @!p0 [hbm:s0], s1  }
0xdf: {  	s0 =	simm.s32 @!p0 $0x4  }
0xe0: {  	_ =	swait.ge @!p0 [sflag:s0], s1  }
0xe1: {  	s1 =	ssub.s32 @!p0 $0x0, s1;
	[sflag:s0] =	ssyncset.done @!p0 $0x0  }
0xe2: {  	[sflag:s0] =	ssyncadd.s32 @!p0 s1  }
0xe3: {  	[bflag:$0x3] =	sbarrier.arrive $0xFFFF  }
0xe4: {  	_ =	shalt  }

</sc_bundles>
